<compile_context>
chip_gen: v7x
topology: tpu7x:2x2x1
jax: 0.10.2.dev20260603
libtpu: 0.0.44.dev20260713+nightly
codegen_flags: <defaults>
</compile_context>

<pallas_src>
import dataclasses
import functools

import jax
import jax.numpy as jnp
from jax import lax
from jax.experimental import pallas as pl
from jax.experimental.pallas import tpu as pltpu
from jax.experimental.pallas import tpu_sc as plsc

B = 16384
D = 64
L = 20
LANES = 16
NC, NS = 2, 16
NW = NC * NS
RPW = B // NW
CH = 32
NCHUNK = RPW // CH
TPC = CH * L

_CP = pltpu.CompilerParams()
if "needs_layout_passes" in pltpu.CompilerParams.__dataclass_fields__:
    _CP = dataclasses.replace(_CP, needs_layout_passes=False)
if "use_tc_tiling_on_sc" in pltpu.CompilerParams.__dataclass_fields__:
    _CP = dataclasses.replace(_CP, use_tc_tiling_on_sc=False)


@functools.partial(
    pl.kernel,
    compiler_params=_CP,
    out_type=jax.ShapeDtypeStruct((B, 2 * D), jnp.float32),
    mesh=plsc.VectorSubcoreMesh(core_axis_name="c", subcore_axis_name="s"),
    scratch_types=[
        pltpu.VMEM((CH,), jnp.int32),
        pltpu.VMEM((TPC,), jnp.int32),
        pltpu.VMEM((CH, D), jnp.float32),
        pltpu.VMEM((TPC, D), jnp.float32),
        pltpu.VMEM((CH, 2 * D), jnp.float32),
        pltpu.VMEM((1, D), jnp.float32),
        pltpu.VMEM((CH,), jnp.float32),
        pltpu.VMEM((CH,), jnp.float32),
        pltpu.SemaphoreType.DMA,
    ],
)
def _movie_sc(ids_hbm, toks_hbm, ttab_hbm, xtab_hbm, out_hbm,
              ids_v, toks_v, trows_v, krows_v, out_v, r0_v, inv_v, n0b_v,
              sem):
    wid = lax.axis_index("s") * NC + lax.axis_index("c")
    base = wid * RPW
    pltpu.sync_copy(xtab_hbm.at[pl.ds(0, 1), :], r0_v)
    r0 = [r0_v[0, pl.ds(k * LANES, LANES)] for k in range(D // LANES)]

    @pl.loop(0, NCHUNK)
    def _chunk(c):
        row0 = base + c * CH
        pltpu.sync_copy(ids_hbm.at[pl.ds(row0, CH)], ids_v)
        pltpu.sync_copy(toks_hbm.at[pl.ds(row0 * L, TPC)], toks_v)
        cps = [pltpu.async_copy(ttab_hbm.at[ids_v], trows_v, sem)]
        for i in range(TPC // 128):
            cps.append(pltpu.async_copy(
                xtab_hbm.at[toks_v.at[pl.ds(i * 128, 128)]],
                krows_v.at[pl.ds(i * 128, 128)], sem))

        for g in range(CH // LANES):
            cnt = jnp.zeros((LANES,), jnp.float32)
            rowv = lax.iota(jnp.int32, LANES) * L + (g * LANES * L)
            for t in range(L):
                tk = plsc.load_gather(toks_v, [rowv + t])
                cnt = cnt + jnp.where(tk != 0,
                                      jnp.float32(1.0), jnp.float32(0.0))
            inv = 1.0 / jnp.maximum(cnt, 1.0)
            inv_v[pl.ds(g * LANES, LANES)] = inv
            n0b_v[pl.ds(g * LANES, LANES)] = (jnp.float32(L) - cnt) * inv

        for cp in cps:
            cp.wait()

        @pl.loop(0, CH)
        def _row(r):
            bidx = jnp.full((LANES,), 0, jnp.int32) + r
            a = plsc.load_gather(inv_v, [bidx])
            nb = plsc.load_gather(n0b_v, [bidx])
            for k in range(D // LANES):
                sl = pl.ds(k * LANES, LANES)
                acc = krows_v[r * L, sl]
                for t in range(1, L):
                    acc = acc + krows_v[r * L + t, sl]
                out_v[r, sl] = trows_v[r, sl]
                out_v[r, pl.ds(D + k * LANES, LANES)] = acc * a - r0[k] * nb
        pltpu.sync_copy(out_v, out_hbm.at[pl.ds(row0, CH), :])


def kernel(title_ids, title_tokens, title_table, text_table):
    ids = jnp.asarray(title_ids, jnp.int32)
    toks = jnp.asarray(title_tokens, jnp.int32).reshape(-1)
    return _movie_sc(ids, toks,
                     jnp.asarray(title_table, jnp.float32),
                     jnp.asarray(text_table, jnp.float32))

# --- scband reference (transcript-rebuilt; emitter-appended) ---
"""Pipeline reference for scband-movie-model-81887846465575 (READ-ONLY COPY).

The authoritative reference and input builder live on the scoring server;
editing this copy changes nothing except your own understanding.
"""

import jax, jax.numpy as jnp
import numpy as np

B = 16384
VOCAB = 100001  # len(unique_movie_titles) + 1
MAX_TOKENS = 10000
D = 64
L = 20  # tokenized title length


def setup_inputs(seed: int = 0) -> dict:
    key = jax.random.key(seed)
    k1, k2, k3, k4 = jax.random.split(key, 4)
    title_ids = jax.random.randint(k1, (B,), 0, VOCAB)
    title_tokens = jax.random.randint(k2, (B, L), 0, MAX_TOKENS)
    title_table = jax.random.normal(k3, (VOCAB, D), dtype=jnp.float32) * 0.05
    text_table = jax.random.normal(k4, (MAX_TOKENS, D), dtype=jnp.float32) * 0.05
    return {
        "title_ids": title_ids,
        "title_tokens": title_tokens,
        "title_table": title_table,
        "text_table": text_table,
    }


def reference(title_ids, title_tokens, title_table, text_table):
    # title_embedding: StringLookup (pre-resolved to int ids) -> Embedding
    emb_title = jnp.take(title_table, title_ids, axis=0)  # [B, D]
    # title_text_embedding: TextVectorization (pre-resolved token ids) -> Embedding(mask_zero=True) -> GlobalAveragePooling1D (masked mean)
    tok_emb = jnp.take(text_table, title_tokens, axis=0)  # [B, L, D]
    mask = (title_tokens != 0).astype(jnp.float32)[..., None]  # [B, L, 1]
    summed = jnp.sum(tok_emb * mask, axis=1)  # [B, D]
    counts = jnp.maximum(jnp.sum(mask, axis=1), 1.0)  # [B, 1]
    emb_text = summed / counts  # [B, D]
    return jnp.concatenate([emb_title, emb_text], axis=1)  # [B, 2D]

if __name__ == "__main__":
    import jax
    _d = setup_inputs()
    print(jax.jit(kernel)(*tuple(_d.values())))

</pallas_src>

<mosaic_0001>
#map = affine_map<(d0, d1) -> (0)>
#map1 = affine_map<(d0, d1) -> (0, 0)>
module attributes {stable_mosaic.version = 14 : i64} {
  func.func @_movie_sc(%arg0: i32, %arg1: i32, %arg2: memref<16384xi32, #tpu.memory_space<hbm>>, %arg3: memref<327680xi32, #tpu.memory_space<hbm>>, %arg4: memref<100001x64xf32, #tpu.memory_space<hbm>>, %arg5: memref<10000x64xf32, #tpu.memory_space<hbm>>, %arg6: memref<16384x128xf32, #tpu.memory_space<hbm>>, %arg7: memref<32xi32, #tpu.memory_space<vmem>>, %arg8: memref<640xi32, #tpu.memory_space<vmem>>, %arg9: memref<32x64xf32, #tpu.memory_space<vmem>>, %arg10: memref<640x64xf32, #tpu.memory_space<vmem>>, %arg11: memref<32x128xf32, #tpu.memory_space<vmem>>, %arg12: memref<1x64xf32, #tpu.memory_space<vmem>>, %arg13: memref<32xf32, #tpu.memory_space<vmem>>, %arg14: memref<32xf32, #tpu.memory_space<vmem>>, %arg15: memref<!tpu.dma_semaphore, #tpu.memory_space<semaphore_mem>>) attributes {dimension_semantics = [#tpu.dimension_semantics<core_parallel>, #tpu.dimension_semantics<subcore_parallel>], iteration_bounds = array<i64: 2, 16>, scalar_prefetch = 0 : i64, scratch_operands = 9 : i64, tpu.core_type = #tpu.core_type<sc_vector_subcore>, window_params = [{transform_indices = #map}, {transform_indices = #map}, {transform_indices = #map1}, {transform_indices = #map1}, {transform_indices = #map1}]} {
    %mul3A = arith.constant 2 : i32
    %mul3A_0 = arith.muli %arg1, %mul3A : i32
    %add3A = arith.addi %mul3A_0, %arg0 : i32
    %mul3A_1 = arith.constant 512 : i32
    %mul3A_2 = arith.muli %add3A, %mul3A_1 : i32
    "tpu.region"() ({
      %run_scoped3A = tpu.sem_alloc : memref<!tpu.dma_semaphore, #tpu.memory_space<semaphore_mem>>
      %dma_start3A = arith.constant 0 : i32
      %dma_start3A_22 = arith.constant 0 : i32
      %dma_start3A_23 = tpu.memref_slice %arg5[%dma_start3A, %dma_start3A_22] : memref<10000x64xf32, #tpu.memory_space<hbm>> -> memref<1x64xf32, #tpu.memory_space<hbm>>
      %dma_start3A_24 = arith.constant 0 : i32
      %dma_start3A_25 = arith.constant 0 : i32
      %dma_start3A_26 = tpu.memref_slice %arg5[%dma_start3A_24, %dma_start3A_25] : memref<10000x64xf32, #tpu.memory_space<hbm>> -> memref<1x64xf32, #tpu.memory_space<hbm>>
      tpu.enqueue_dma source(%dma_start3A_26 : memref<1x64xf32, #tpu.memory_space<hbm>>) target(%arg12 : memref<1x64xf32, #tpu.memory_space<vmem>>) target_semaphore(%run_scoped3A : memref<!tpu.dma_semaphore, #tpu.memory_space<semaphore_mem>>)
      %dma_wait3A = arith.constant 0 : i32
      %dma_wait3A_27 = arith.constant 0 : i32
      %dma_wait3A_28 = tpu.memref_slice %arg5[%dma_wait3A, %dma_wait3A_27] : memref<10000x64xf32, #tpu.memory_space<hbm>> -> memref<1x64xf32, #tpu.memory_space<hbm>>
      %dma_wait3A_29 = arith.constant 0 : i32
      %dma_wait3A_30 = arith.constant 0 : i32
      %dma_wait3A_31 = tpu.memref_slice %arg5[%dma_wait3A_29, %dma_wait3A_30] : memref<10000x64xf32, #tpu.memory_space<hbm>> -> memref<1x64xf32, #tpu.memory_space<hbm>>
      tpu.wait_dma2 semaphore(%run_scoped3A : memref<!tpu.dma_semaphore, #tpu.memory_space<semaphore_mem>>) src(%dma_wait3A_31 : memref<1x64xf32, #tpu.memory_space<hbm>>) dst(%arg12 : memref<1x64xf32, #tpu.memory_space<vmem>>)
      tpu.yield
    }) : () -> ()
    %get3A = arith.constant 0 : i32
    %get3A_3 = arith.index_cast %get3A : i32 to index
    %get3A_4 = arith.constant 0 : index
    %get3A_5 = tpu.vector_load %arg12[%get3A_3, %get3A_4] {strides = array<i32>} : memref<1x64xf32, #tpu.memory_space<vmem>>, vector<16xf32>,
    %get3A_6 = arith.constant 0 : i32
    %get3A_7 = arith.index_cast %get3A_6 : i32 to index
    %get3A_8 = arith.constant 16 : index
    %get3A_9 = tpu.vector_load %arg12[%get3A_7, %get3A_8] {strides = array<i32>} : memref<1x64xf32, #tpu.memory_space<vmem>>, vector<16xf32>,
    %get3A_10 = arith.constant 0 : i32
    %get3A_11 = arith.index_cast %get3A_10 : i32 to index
    %get3A_12 = arith.constant 32 : index
    %get3A_13 = tpu.vector_load %arg12[%get3A_11, %get3A_12] {strides = array<i32>} : memref<1x64xf32, #tpu.memory_space<vmem>>, vector<16xf32>,
    %get3A_14 = arith.constant 0 : i32
    %get3A_15 = arith.index_cast %get3A_14 : i32 to index
    %get3A_16 = arith.constant 48 : index
    %get3A_17 = tpu.vector_load %arg12[%get3A_15, %get3A_16] {strides = array<i32>} : memref<1x64xf32, #tpu.memory_space<vmem>>, vector<16xf32>,
    %scan3A = arith.constant 0 : i32
    %scan3A_18 = arith.constant 16 : i32
    %scan3A_19 = arith.addi %scan3A, %scan3A_18 : i32
    %scan3A_20 = arith.constant 1 : i32
    scf.for %scan3A_22 = %scan3A to %scan3A_19 step %scan3A_20  : i32 {
      %mul3A_23 = arith.constant 1 : i32
      %mul3A_24 = arith.muli %scan3A_22, %mul3A_23 : i32
      %add3A_25 = arith.constant 0 : i32
      %add3A_26 = arith.addi %add3A_25, %mul3A_24 : i32
      %mul3A_27 = arith.constant 32 : i32
      %mul3A_28 = arith.muli %add3A_26, %mul3A_27 : i32
      %add3A_29 = arith.addi %mul3A_2, %mul3A_28 : i32
      "tpu.region"() ({
        %run_scoped3A = tpu.sem_alloc : memref<!tpu.dma_semaphore, #tpu.memory_space<semaphore_mem>>
        %dma_start3A_677 = tpu.memref_slice %arg2[%add3A_29] : memref<16384xi32, #tpu.memory_space<hbm>> -> memref<32xi32, #tpu.memory_space<hbm>>
        %dma_start3A_678 = tpu.memref_slice %arg2[%add3A_29] : memref<16384xi32, #tpu.memory_space<hbm>> -> memref<32xi32, #tpu.memory_space<hbm>>
        tpu.enqueue_dma source(%dma_start3A_678 : memref<32xi32, #tpu.memory_space<hbm>>) target(%arg7 : memref<32xi32, #tpu.memory_space<vmem>>) target_semaphore(%run_scoped3A : memref<!tpu.dma_semaphore, #tpu.memory_space<semaphore_mem>>)
        %dma_wait3A_679 = tpu.memref_slice %arg2[%add3A_29] : memref<16384xi32, #tpu.memory_space<hbm>> -> memref<32xi32, #tpu.memory_space<hbm>>
        %dma_wait3A_680 = tpu.memref_slice %arg2[%add3A_29] : memref<16384xi32, #tpu.memory_space<hbm>> -> memref<32xi32, #tpu.memory_space<hbm>>
        tpu.wait_dma2 semaphore(%run_scoped3A : memref<!tpu.dma_semaphore, #tpu.memory_space<semaphore_mem>>) src(%dma_wait3A_680 : memref<32xi32, #tpu.memory_space<hbm>>) dst(%arg7 : memref<32xi32, #tpu.memory_space<vmem>>)
        tpu.yield
      }) : () -> ()
      %mul3A_30 = arith.constant 20 : i32
      %mul3A_31 = arith.muli %add3A_29, %mul3A_30 : i32
      "tpu.region"() ({
        %run_scoped3A = tpu.sem_alloc : memref<!tpu.dma_semaphore, #tpu.memory_space<semaphore_mem>>
        %dma_start3A_677 = tpu.memref_slice %arg3[%mul3A_31] : memref<327680xi32, #tpu.memory_space<hbm>> -> memref<640xi32, #tpu.memory_space<hbm>>
        %dma_start3A_678 = tpu.memref_slice %arg3[%mul3A_31] : memref<327680xi32, #tpu.memory_space<hbm>> -> memref<640xi32, #tpu.memory_space<hbm>>
        tpu.enqueue_dma source(%dma_start3A_678 : memref<640xi32, #tpu.memory_space<hbm>>) target(%arg8 : memref<640xi32, #tpu.memory_space<vmem>>) target_semaphore(%run_scoped3A : memref<!tpu.dma_semaphore, #tpu.memory_space<semaphore_mem>>)
        %dma_wait3A_679 = tpu.memref_slice %arg3[%mul3A_31] : memref<327680xi32, #tpu.memory_space<hbm>> -> memref<640xi32, #tpu.memory_space<hbm>>
        %dma_wait3A_680 = tpu.memref_slice %arg3[%mul3A_31] : memref<327680xi32, #tpu.memory_space<hbm>> -> memref<640xi32, #tpu.memory_space<hbm>>
        tpu.wait_dma2 semaphore(%run_scoped3A : memref<!tpu.dma_semaphore, #tpu.memory_space<semaphore_mem>>) src(%dma_wait3A_680 : memref<640xi32, #tpu.memory_space<hbm>>) dst(%arg8 : memref<640xi32, #tpu.memory_space<vmem>>)
        tpu.yield
      }) : () -> ()
      %dma_start3A = arith.constant 0 : i32
      %dma_start3A_32 = arith.constant 0 : i32
      %dma_start3A_33 = tpu.memref_slice %arg4[%dma_start3A, %dma_start3A_32] : memref<100001x64xf32, #tpu.memory_space<hbm>> -> memref<100001x64xf32, #tpu.memory_space<hbm>>
      tpu.enqueue_indirect_dma source(%dma_start3A_33 : memref<100001x64xf32, #tpu.memory_space<hbm>>) target(%arg9 : memref<32x64xf32, #tpu.memory_space<vmem>>) offsets(%arg7 : memref<32xi32, #tpu.memory_space<vmem>>) semaphore(%arg15 : memref<!tpu.dma_semaphore, #tpu.memory_space<semaphore_mem>>)
      %dma_start3A_34 = arith.constant 0 : i32
      %dma_start3A_35 = arith.constant 0 : i32
      %dma_start3A_36 = tpu.memref_slice %arg10[%dma_start3A_34, %dma_start3A_35] : memref<640x64xf32, #tpu.memory_space<vmem>> -> memref<128x64xf32, #tpu.memory_space<vmem>>
      %dma_start3A_37 = arith.constant 0 : i32
      %dma_start3A_38 = tpu.memref_slice %arg8[%dma_start3A_37] : memref<640xi32, #tpu.memory_space<vmem>> -> memref<128xi32, #tpu.memory_space<vmem>>
      %dma_start3A_39 = arith.constant 0 : i32
      %dma_start3A_40 = arith.constant 0 : i32
      %dma_start3A_41 = tpu.memref_slice %arg5[%dma_start3A_39, %dma_start3A_40] : memref<10000x64xf32, #tpu.memory_space<hbm>> -> memref<10000x64xf32, #tpu.memory_space<hbm>>
      tpu.enqueue_indirect_dma source(%dma_start3A_41 : memref<10000x64xf32, #tpu.memory_space<hbm>>) target(%dma_start3A_36 : memref<128x64xf32, #tpu.memory_space<vmem>>) offsets(%dma_start3A_38 : memref<128xi32, #tpu.memory_space<vmem>>) semaphore(%arg15 : memref<!tpu.dma_semaphore, #tpu.memory_space<semaphore_mem>>)
      %dma_start3A_42 = arith.constant 128 : i32
      %dma_start3A_43 = arith.constant 0 : i32
      %dma_start3A_44 = tpu.memref_slice %arg10[%dma_start3A_42, %dma_start3A_43] : memref<640x64xf32, #tpu.memory_space<vmem>> -> memref<128x64xf32, #tpu.memory_space<vmem>>
      %dma_start3A_45 = arith.constant 128 : i32
      %dma_start3A_46 = tpu.memref_slice %arg8[%dma_start3A_45] : memref<640xi32, #tpu.memory_space<vmem>> -> memref<128xi32, #tpu.memory_space<vmem>>
      %dma_start3A_47 = arith.constant 0 : i32
      %dma_start3A_48 = arith.constant 0 : i32
      %dma_start3A_49 = tpu.memref_slice %arg5[%dma_start3A_47, %dma_start3A_48] : memref<10000x64xf32, #tpu.memory_space<hbm>> -> memref<10000x64xf32, #tpu.memory_space<hbm>>
      tpu.enqueue_indirect_dma source(%dma_start3A_49 : memref<10000x64xf32, #tpu.memory_space<hbm>>) target(%dma_start3A_44 : memref<128x64xf32, #tpu.memory_space<vmem>>) offsets(%dma_start3A_46 : memref<128xi32, #tpu.memory_space<vmem>>) semaphore(%arg15 : memref<!tpu.dma_semaphore, #tpu.memory_space<semaphore_mem>>)
      %dma_start3A_50 = arith.constant 256 : i32
      %dma_start3A_51 = arith.constant 0 : i32
      %dma_start3A_52 = tpu.memref_slice %arg10[%dma_start3A_50, %dma_start3A_51] : memref<640x64xf32, #tpu.memory_space<vmem>> -> memref<128x64xf32, #tpu.memory_space<vmem>>
      %dma_start3A_53 = arith.constant 256 : i32
      %dma_start3A_54 = tpu.memref_slice %arg8[%dma_start3A_53] : memref<640xi32, #tpu.memory_space<vmem>> -> memref<128xi32, #tpu.memory_space<vmem>>
      %dma_start3A_55 = arith.constant 0 : i32
      %dma_start3A_56 = arith.constant 0 : i32
      %dma_start3A_57 = tpu.memref_slice %arg5[%dma_start3A_55, %dma_start3A_56] : memref<10000x64xf32, #tpu.memory_space<hbm>> -> memref<10000x64xf32, #tpu.memory_space<hbm>>
      tpu.enqueue_indirect_dma source(%dma_start3A_57 : memref<10000x64xf32, #tpu.memory_space<hbm>>) target(%dma_start3A_52 : memref<128x64xf32, #tpu.memory_space<vmem>>) offsets(%dma_start3A_54 : memref<128xi32, #tpu.memory_space<vmem>>) semaphore(%arg15 : memref<!tpu.dma_semaphore, #tpu.memory_space<semaphore_mem>>)
      %dma_start3A_58 = arith.constant 384 : i32
      %dma_start3A_59 = arith.constant 0 : i32
      %dma_start3A_60 = tpu.memref_slice %arg10[%dma_start3A_58, %dma_start3A_59] : memref<640x64xf32, #tpu.memory_space<vmem>> -> memref<128x64xf32, #tpu.memory_space<vmem>>
      %dma_start3A_61 = arith.constant 384 : i32
      %dma_start3A_62 = tpu.memref_slice %arg8[%dma_start3A_61] : memref<640xi32, #tpu.memory_space<vmem>> -> memref<128xi32, #tpu.memory_space<vmem>>
      %dma_start3A_63 = arith.constant 0 : i32
      %dma_start3A_64 = arith.constant 0 : i32
      %dma_start3A_65 = tpu.memref_slice %arg5[%dma_start3A_63, %dma_start3A_64] : memref<10000x64xf32, #tpu.memory_space<hbm>> -> memref<10000x64xf32, #tpu.memory_space<hbm>>
      tpu.enqueue_indirect_dma source(%dma_start3A_65 : memref<10000x64xf32, #tpu.memory_space<hbm>>) target(%dma_start3A_60 : memref<128x64xf32, #tpu.memory_space<vmem>>) offsets(%dma_start3A_62 : memref<128xi32, #tpu.memory_space<vmem>>) semaphore(%arg15 : memref<!tpu.dma_semaphore, #tpu.memory_space<semaphore_mem>>)
      %dma_start3A_66 = arith.constant 512 : i32
      %dma_start3A_67 = arith.constant 0 : i32
      %dma_start3A_68 = tpu.memref_slice %arg10[%dma_start3A_66, %dma_start3A_67] : memref<640x64xf32, #tpu.memory_space<vmem>> -> memref<128x64xf32, #tpu.memory_space<vmem>>
      %dma_start3A_69 = arith.constant 512 : i32
      %dma_start3A_70 = tpu.memref_slice %arg8[%dma_start3A_69] : memref<640xi32, #tpu.memory_space<vmem>> -> memref<128xi32, #tpu.memory_space<vmem>>
      %dma_start3A_71 = arith.constant 0 : i32
      %dma_start3A_72 = arith.constant 0 : i32
      %dma_start3A_73 = tpu.memref_slice %arg5[%dma_start3A_71, %dma_start3A_72] : memref<10000x64xf32, #tpu.memory_space<hbm>> -> memref<10000x64xf32, #tpu.memory_space<hbm>>
      tpu.enqueue_indirect_dma source(%dma_start3A_73 : memref<10000x64xf32, #tpu.memory_space<hbm>>) target(%dma_start3A_68 : memref<128x64xf32, #tpu.memory_space<vmem>>) offsets(%dma_start3A_70 : memref<128xi32, #tpu.memory_space<vmem>>) semaphore(%arg15 : memref<!tpu.dma_semaphore, #tpu.memory_space<semaphore_mem>>)
      %broadcast_in_dim3A = arith.constant 0.000000e+00 : f32
      %broadcast_in_dim3A_74 = vector.broadcast %broadcast_in_dim3A : f32 to vector<16xf32>
      %iota3A = tpu.iota {dimensions = array<i32: 0>} : vector<16xi32>
      %mul3A_75 = arith.constant 20 : i32
      %mul3A_76 = vector.broadcast %mul3A_75 : i32 to vector<16xi32>
      %mul3A_77 = arith.muli %iota3A, %mul3A_76 : vector<16xi32>
      %add3A_78 = arith.constant 0 : i32
      %add3A_79 = vector.broadcast %add3A_78 : i32 to vector<16xi32>
      %add3A_80 = arith.addi %mul3A_77, %add3A_79 : vector<16xi32>
      %add3A_81 = arith.constant 0 : i32
      %add3A_82 = vector.broadcast %add3A_81 : i32 to vector<16xi32>
      %add3A_83 = arith.addi %add3A_80, %add3A_82 : vector<16xi32>
      %gather3A = tpu.vector_load_idx %arg8[%add3A_83] : memref<640xi32, #tpu.memory_space<vmem>>[vector<16xi32>], vector<16xi32>,
      %ne3A = arith.constant 0 : i32
      %ne3A_84 = vector.broadcast %ne3A : i32 to vector<16xi32>
      %ne3A_85 = arith.cmpi ne, %gather3A, %ne3A_84 : vector<16xi32>
      %jit3A = arith.constant 1.000000e+00 : f32
      %jit3A_86 = arith.constant 0.000000e+00 : f32
      %broadcast_in_dim3A_87 = vector.broadcast %jit3A : f32 to vector<16xf32>
      %broadcast_in_dim3A_88 = vector.broadcast %jit3A_86 : f32 to vector<16xf32>
      %select_n3A = arith.select %ne3A_85, %broadcast_in_dim3A_87, %broadcast_in_dim3A_88 : vector<16xi1>, vector<16xf32>
      %add3A_89 = arith.addf %broadcast_in_dim3A_74, %select_n3A : vector<16xf32>
      %add3A_90 = arith.constant 1 : i32
      %add3A_91 = vector.broadcast %add3A_90 : i32 to vector<16xi32>
      %add3A_92 = arith.addi %add3A_80, %add3A_91 : vector<16xi32>
      %gather3A_93 = tpu.vector_load_idx %arg8[%add3A_92] : memref<640xi32, #tpu.memory_space<vmem>>[vector<16xi32>], vector<16xi32>,
      %ne3A_94 = arith.constant 0 : i32
      %ne3A_95 = vector.broadcast %ne3A_94 : i32 to vector<16xi32>
      %ne3A_96 = arith.cmpi ne, %gather3A_93, %ne3A_95 : vector<16xi32>
      %jit3A_97 = arith.constant 1.000000e+00 : f32
      %jit3A_98 = arith.constant 0.000000e+00 : f32
      %broadcast_in_dim3A_99 = vector.broadcast %jit3A_97 : f32 to vector<16xf32>
      %broadcast_in_dim3A_100 = vector.broadcast %jit3A_98 : f32 to vector<16xf32>
      %select_n3A_101 = arith.select %ne3A_96, %broadcast_in_dim3A_99, %broadcast_in_dim3A_100 : vector<16xi1>, vector<16xf32>
      %add3A_102 = arith.addf %add3A_89, %select_n3A_101 : vector<16xf32>
      %add3A_103 = arith.constant 2 : i32
      %add3A_104 = vector.broadcast %add3A_103 : i32 to vector<16xi32>
      %add3A_105 = arith.addi %add3A_80, %add3A_104 : vector<16xi32>
      %gather3A_106 = tpu.vector_load_idx %arg8[%add3A_105] : memref<640xi32, #tpu.memory_space<vmem>>[vector<16xi32>], vector<16xi32>,
      %ne3A_107 = arith.constant 0 : i32
      %ne3A_108 = vector.broadcast %ne3A_107 : i32 to vector<16xi32>
      %ne3A_109 = arith.cmpi ne, %gather3A_106, %ne3A_108 : vector<16xi32>
      %jit3A_110 = arith.constant 1.000000e+00 : f32
      %jit3A_111 = arith.constant 0.000000e+00 : f32
      %broadcast_in_dim3A_112 = vector.broadcast %jit3A_110 : f32 to vector<16xf32>
      %broadcast_in_dim3A_113 = vector.broadcast %jit3A_111 : f32 to vector<16xf32>
      %select_n3A_114 = arith.select %ne3A_109, %broadcast_in_dim3A_112, %broadcast_in_dim3A_113 : vector<16xi1>, vector<16xf32>
      %add3A_115 = arith.addf %add3A_102, %select_n3A_114 : vector<16xf32>
      %add3A_116 = arith.constant 3 : i32
      %add3A_117 = vector.broadcast %add3A_116 : i32 to vector<16xi32>
      %add3A_118 = arith.addi %add3A_80, %add3A_117 : vector<16xi32>
      %gather3A_119 = tpu.vector_load_idx %arg8[%add3A_118] : memref<640xi32, #tpu.memory_space<vmem>>[vector<16xi32>], vector<16xi32>,
      %ne3A_120 = arith.constant 0 : i32
      %ne3A_121 = vector.broadcast %ne3A_120 : i32 to vector<16xi32>
      %ne3A_122 = arith.cmpi ne, %gather3A_119, %ne3A_121 : vector<16xi32>
      %jit3A_123 = arith.constant 1.000000e+00 : f32
      %jit3A_124 = arith.constant 0.000000e+00 : f32
      %broadcast_in_dim3A_125 = vector.broadcast %jit3A_123 : f32 to vector<16xf32>
      %broadcast_in_dim3A_126 = vector.broadcast %jit3A_124 : f32 to vector<16xf32>
      %select_n3A_127 = arith.select %ne3A_122, %broadcast_in_dim3A_125, %broadcast_in_dim3A_126 : vector<16xi1>, vector<16xf32>
      %add3A_128 = arith.addf %add3A_115, %select_n3A_127 : vector<16xf32>
      %add3A_129 = arith.constant 4 : i32
      %add3A_130 = vector.broadcast %add3A_129 : i32 to vector<16xi32>
      %add3A_131 = arith.addi %add3A_80, %add3A_130 : vector<16xi32>
      %gather3A_132 = tpu.vector_load_idx %arg8[%add3A_131] : memref<640xi32, #tpu.memory_space<vmem>>[vector<16xi32>], vector<16xi32>,
      %ne3A_133 = arith.constant 0 : i32
      %ne3A_134 = vector.broadcast %ne3A_133 : i32 to vector<16xi32>
      %ne3A_135 = arith.cmpi ne, %gather3A_132, %ne3A_134 : vector<16xi32>
      %jit3A_136 = arith.constant 1.000000e+00 : f32
      %jit3A_137 = arith.constant 0.000000e+00 : f32
      %broadcast_in_dim3A_138 = vector.broadcast %jit3A_136 : f32 to vector<16xf32>
      %broadcast_in_dim3A_139 = vector.broadcast %jit3A_137 : f32 to vector<16xf32>
      %select_n3A_140 = arith.select %ne3A_135, %broadcast_in_dim3A_138, %broadcast_in_dim3A_139 : vector<16xi1>, vector<16xf32>
      %add3A_141 = arith.addf %add3A_128, %select_n3A_140 : vector<16xf32>
      %add3A_142 = arith.constant 5 : i32
      %add3A_143 = vector.broadcast %add3A_142 : i32 to vector<16xi32>
      %add3A_144 = arith.addi %add3A_80, %add3A_143 : vector<16xi32>
      %gather3A_145 = tpu.vector_load_idx %arg8[%add3A_144] : memref<640xi32, #tpu.memory_space<vmem>>[vector<16xi32>], vector<16xi32>,
      %ne3A_146 = arith.constant 0 : i32
      %ne3A_147 = vector.broadcast %ne3A_146 : i32 to vector<16xi32>
      %ne3A_148 = arith.cmpi ne, %gather3A_145, %ne3A_147 : vector<16xi32>
      %jit3A_149 = arith.constant 1.000000e+00 : f32
      %jit3A_150 = arith.constant 0.000000e+00 : f32
      %broadcast_in_dim3A_151 = vector.broadcast %jit3A_149 : f32 to vector<16xf32>
      %broadcast_in_dim3A_152 = vector.broadcast %jit3A_150 : f32 to vector<16xf32>
      %select_n3A_153 = arith.select %ne3A_148, %broadcast_in_dim3A_151, %broadcast_in_dim3A_152 : vector<16xi1>, vector<16xf32>
      %add3A_154 = arith.addf %add3A_141, %select_n3A_153 : vector<16xf32>
      %add3A_155 = arith.constant 6 : i32
      %add3A_156 = vector.broadcast %add3A_155 : i32 to vector<16xi32>
      %add3A_157 = arith.addi %add3A_80, %add3A_156 : vector<16xi32>
      %gather3A_158 = tpu.vector_load_idx %arg8[%add3A_157] : memref<640xi32, #tpu.memory_space<vmem>>[vector<16xi32>], vector<16xi32>,
      %ne3A_159 = arith.constant 0 : i32
      %ne3A_160 = vector.broadcast %ne3A_159 : i32 to vector<16xi32>
      %ne3A_161 = arith.cmpi ne, %gather3A_158, %ne3A_160 : vector<16xi32>
      %jit3A_162 = arith.constant 1.000000e+00 : f32
      %jit3A_163 = arith.constant 0.000000e+00 : f32
      %broadcast_in_dim3A_164 = vector.broadcast %jit3A_162 : f32 to vector<16xf32>
      %broadcast_in_dim3A_165 = vector.broadcast %jit3A_163 : f32 to vector<16xf32>
      %select_n3A_166 = arith.select %ne3A_161, %broadcast_in_dim3A_164, %broadcast_in_dim3A_165 : vector<16xi1>, vector<16xf32>
      %add3A_167 = arith.addf %add3A_154, %select_n3A_166 : vector<16xf32>
      %add3A_168 = arith.constant 7 : i32
      %add3A_169 = vector.broadcast %add3A_168 : i32 to vector<16xi32>
      %add3A_170 = arith.addi %add3A_80, %add3A_169 : vector<16xi32>
      %gather3A_171 = tpu.vector_load_idx %arg8[%add3A_170] : memref<640xi32, #tpu.memory_space<vmem>>[vector<16xi32>], vector<16xi32>,
      %ne3A_172 = arith.constant 0 : i32
      %ne3A_173 = vector.broadcast %ne3A_172 : i32 to vector<16xi32>
      %ne3A_174 = arith.cmpi ne, %gather3A_171, %ne3A_173 : vector<16xi32>
      %jit3A_175 = arith.constant 1.000000e+00 : f32
      %jit3A_176 = arith.constant 0.000000e+00 : f32
      %broadcast_in_dim3A_177 = vector.broadcast %jit3A_175 : f32 to vector<16xf32>
      %broadcast_in_dim3A_178 = vector.broadcast %jit3A_176 : f32 to vector<16xf32>
      %select_n3A_179 = arith.select %ne3A_174, %broadcast_in_dim3A_177, %broadcast_in_dim3A_178 : vector<16xi1>, vector<16xf32>
      %add3A_180 = arith.addf %add3A_167, %select_n3A_179 : vector<16xf32>
      %add3A_181 = arith.constant 8 : i32
      %add3A_182 = vector.broadcast %add3A_181 : i32 to vector<16xi32>
      %add3A_183 = arith.addi %add3A_80, %add3A_182 : vector<16xi32>
      %gather3A_184 = tpu.vector_load_idx %arg8[%add3A_183] : memref<640xi32, #tpu.memory_space<vmem>>[vector<16xi32>], vector<16xi32>,
      %ne3A_185 = arith.constant 0 : i32
      %ne3A_186 = vector.broadcast %ne3A_185 : i32 to vector<16xi32>
      %ne3A_187 = arith.cmpi ne, %gather3A_184, %ne3A_186 : vector<16xi32>
      %jit3A_188 = arith.constant 1.000000e+00 : f32
      %jit3A_189 = arith.constant 0.000000e+00 : f32
      %broadcast_in_dim3A_190 = vector.broadcast %jit3A_188 : f32 to vector<16xf32>
      %broadcast_in_dim3A_191 = vector.broadcast %jit3A_189 : f32 to vector<16xf32>
      %select_n3A_192 = arith.select %ne3A_187, %broadcast_in_dim3A_190, %broadcast_in_dim3A_191 : vector<16xi1>, vector<16xf32>
      %add3A_193 = arith.addf %add3A_180, %select_n3A_192 : vector<16xf32>
      %add3A_194 = arith.constant 9 : i32
      %add3A_195 = vector.broadcast %add3A_194 : i32 to vector<16xi32>
      %add3A_196 = arith.addi %add3A_80, %add3A_195 : vector<16xi32>
      %gather3A_197 = tpu.vector_load_idx %arg8[%add3A_196] : memref<640xi32, #tpu.memory_space<vmem>>[vector<16xi32>], vector<16xi32>,
      %ne3A_198 = arith.constant 0 : i32
      %ne3A_199 = vector.broadcast %ne3A_198 : i32 to vector<16xi32>
      %ne3A_200 = arith.cmpi ne, %gather3A_197, %ne3A_199 : vector<16xi32>
      %jit3A_201 = arith.constant 1.000000e+00 : f32
      %jit3A_202 = arith.constant 0.000000e+00 : f32
      %broadcast_in_dim3A_203 = vector.broadcast %jit3A_201 : f32 to vector<16xf32>
      %broadcast_in_dim3A_204 = vector.broadcast %jit3A_202 : f32 to vector<16xf32>
      %select_n3A_205 = arith.select %ne3A_200, %broadcast_in_dim3A_203, %broadcast_in_dim3A_204 : vector<16xi1>, vector<16xf32>
      %add3A_206 = arith.addf %add3A_193, %select_n3A_205 : vector<16xf32>
      %add3A_207 = arith.constant 10 : i32
      %add3A_208 = vector.broadcast %add3A_207 : i32 to vector<16xi32>
      %add3A_209 = arith.addi %add3A_80, %add3A_208 : vector<16xi32>
      %gather3A_210 = tpu.vector_load_idx %arg8[%add3A_209] : memref<640xi32, #tpu.memory_space<vmem>>[vector<16xi32>], vector<16xi32>,
      %ne3A_211 = arith.constant 0 : i32
      %ne3A_212 = vector.broadcast %ne3A_211 : i32 to vector<16xi32>
      %ne3A_213 = arith.cmpi ne, %gather3A_210, %ne3A_212 : vector<16xi32>
      %jit3A_214 = arith.constant 1.000000e+00 : f32
      %jit3A_215 = arith.constant 0.000000e+00 : f32
      %broadcast_in_dim3A_216 = vector.broadcast %jit3A_214 : f32 to vector<16xf32>
      %broadcast_in_dim3A_217 = vector.broadcast %jit3A_215 : f32 to vector<16xf32>
      %select_n3A_218 = arith.select %ne3A_213, %broadcast_in_dim3A_216, %broadcast_in_dim3A_217 : vector<16xi1>, vector<16xf32>
      %add3A_219 = arith.addf %add3A_206, %select_n3A_218 : vector<16xf32>
      %add3A_220 = arith.constant 11 : i32
      %add3A_221 = vector.broadcast %add3A_220 : i32 to vector<16xi32>
      %add3A_222 = arith.addi %add3A_80, %add3A_221 : vector<16xi32>
      %gather3A_223 = tpu.vector_load_idx %arg8[%add3A_222] : memref<640xi32, #tpu.memory_space<vmem>>[vector<16xi32>], vector<16xi32>,
      %ne3A_224 = arith.constant 0 : i32
      %ne3A_225 = vector.broadcast %ne3A_224 : i32 to vector<16xi32>
      %ne3A_226 = arith.cmpi ne, %gather3A_223, %ne3A_225 : vector<16xi32>
      %jit3A_227 = arith.constant 1.000000e+00 : f32
      %jit3A_228 = arith.constant 0.000000e+00 : f32
      %broadcast_in_dim3A_229 = vector.broadcast %jit3A_227 : f32 to vector<16xf32>
      %broadcast_in_dim3A_230 = vector.broadcast %jit3A_228 : f32 to vector<16xf32>
      %select_n3A_231 = arith.select %ne3A_226, %broadcast_in_dim3A_229, %broadcast_in_dim3A_230 : vector<16xi1>, vector<16xf32>
      %add3A_232 = arith.addf %add3A_219, %select_n3A_231 : vector<16xf32>
      %add3A_233 = arith.constant 12 : i32
      %add3A_234 = vector.broadcast %add3A_233 : i32 to vector<16xi32>
      %add3A_235 = arith.addi %add3A_80, %add3A_234 : vector<16xi32>
      %gather3A_236 = tpu.vector_load_idx %arg8[%add3A_235] : memref<640xi32, #tpu.memory_space<vmem>>[vector<16xi32>], vector<16xi32>,
      %ne3A_237 = arith.constant 0 : i32
      %ne3A_238 = vector.broadcast %ne3A_237 : i32 to vector<16xi32>
      %ne3A_239 = arith.cmpi ne, %gather3A_236, %ne3A_238 : vector<16xi32>
      %jit3A_240 = arith.constant 1.000000e+00 : f32
      %jit3A_241 = arith.constant 0.000000e+00 : f32
      %broadcast_in_dim3A_242 = vector.broadcast %jit3A_240 : f32 to vector<16xf32>
      %broadcast_in_dim3A_243 = vector.broadcast %jit3A_241 : f32 to vector<16xf32>
      %select_n3A_244 = arith.select %ne3A_239, %broadcast_in_dim3A_242, %broadcast_in_dim3A_243 : vector<16xi1>, vector<16xf32>
      %add3A_245 = arith.addf %add3A_232, %select_n3A_244 : vector<16xf32>
      %add3A_246 = arith.constant 13 : i32
      %add3A_247 = vector.broadcast %add3A_246 : i32 to vector<16xi32>
      %add3A_248 = arith.addi %add3A_80, %add3A_247 : vector<16xi32>
      %gather3A_249 = tpu.vector_load_idx %arg8[%add3A_248] : memref<640xi32, #tpu.memory_space<vmem>>[vector<16xi32>], vector<16xi32>,
      %ne3A_250 = arith.constant 0 : i32
      %ne3A_251 = vector.broadcast %ne3A_250 : i32 to vector<16xi32>
      %ne3A_252 = arith.cmpi ne, %gather3A_249, %ne3A_251 : vector<16xi32>
      %jit3A_253 = arith.constant 1.000000e+00 : f32
      %jit3A_254 = arith.constant 0.000000e+00 : f32
      %broadcast_in_dim3A_255 = vector.broadcast %jit3A_253 : f32 to vector<16xf32>
      %broadcast_in_dim3A_256 = vector.broadcast %jit3A_254 : f32 to vector<16xf32>
      %select_n3A_257 = arith.select %ne3A_252, %broadcast_in_dim3A_255, %broadcast_in_dim3A_256 : vector<16xi1>, vector<16xf32>
      %add3A_258 = arith.addf %add3A_245, %select_n3A_257 : vector<16xf32>
      %add3A_259 = arith.constant 14 : i32
      %add3A_260 = vector.broadcast %add3A_259 : i32 to vector<16xi32>
      %add3A_261 = arith.addi %add3A_80, %add3A_260 : vector<16xi32>
      %gather3A_262 = tpu.vector_load_idx %arg8[%add3A_261] : memref<640xi32, #tpu.memory_space<vmem>>[vector<16xi32>], vector<16xi32>,
      %ne3A_263 = arith.constant 0 : i32
      %ne3A_264 = vector.broadcast %ne3A_263 : i32 to vector<16xi32>
      %ne3A_265 = arith.cmpi ne, %gather3A_262, %ne3A_264 : vector<16xi32>
      %jit3A_266 = arith.constant 1.000000e+00 : f32
      %jit3A_267 = arith.constant 0.000000e+00 : f32
      %broadcast_in_dim3A_268 = vector.broadcast %jit3A_266 : f32 to vector<16xf32>
      %broadcast_in_dim3A_269 = vector.broadcast %jit3A_267 : f32 to vector<16xf32>
      %select_n3A_270 = arith.select %ne3A_265, %broadcast_in_dim3A_268, %broadcast_in_dim3A_269 : vector<16xi1>, vector<16xf32>
      %add3A_271 = arith.addf %add3A_258, %select_n3A_270 : vector<16xf32>
      %add3A_272 = arith.constant 15 : i32
      %add3A_273 = vector.broadcast %add3A_272 : i32 to vector<16xi32>
      %add3A_274 = arith.addi %add3A_80, %add3A_273 : vector<16xi32>
      %gather3A_275 = tpu.vector_load_idx %arg8[%add3A_274] : memref<640xi32, #tpu.memory_space<vmem>>[vector<16xi32>], vector<16xi32>,
      %ne3A_276 = arith.constant 0 : i32
      %ne3A_277 = vector.broadcast %ne3A_276 : i32 to vector<16xi32>
      %ne3A_278 = arith.cmpi ne, %gather3A_275, %ne3A_277 : vector<16xi32>
      %jit3A_279 = arith.constant 1.000000e+00 : f32
      %jit3A_280 = arith.constant 0.000000e+00 : f32
      %broadcast_in_dim3A_281 = vector.broadcast %jit3A_279 : f32 to vector<16xf32>
      %broadcast_in_dim3A_282 = vector.broadcast %jit3A_280 : f32 to vector<16xf32>
      %select_n3A_283 = arith.select %ne3A_278, %broadcast_in_dim3A_281, %broadcast_in_dim3A_282 : vector<16xi1>, vector<16xf32>
      %add3A_284 = arith.addf %add3A_271, %select_n3A_283 : vector<16xf32>
      %add3A_285 = arith.constant 16 : i32
      %add3A_286 = vector.broadcast %add3A_285 : i32 to vector<16xi32>
      %add3A_287 = arith.addi %add3A_80, %add3A_286 : vector<16xi32>
      %gather3A_288 = tpu.vector_load_idx %arg8[%add3A_287] : memref<640xi32, #tpu.memory_space<vmem>>[vector<16xi32>], vector<16xi32>,
      %ne3A_289 = arith.constant 0 : i32
      %ne3A_290 = vector.broadcast %ne3A_289 : i32 to vector<16xi32>
      %ne3A_291 = arith.cmpi ne, %gather3A_288, %ne3A_290 : vector<16xi32>
      %jit3A_292 = arith.constant 1.000000e+00 : f32
      %jit3A_293 = arith.constant 0.000000e+00 : f32
      %broadcast_in_dim3A_294 = vector.broadcast %jit3A_292 : f32 to vector<16xf32>
      %broadcast_in_dim3A_295 = vector.broadcast %jit3A_293 : f32 to vector<16xf32>
      %select_n3A_296 = arith.select %ne3A_291, %broadcast_in_dim3A_294, %broadcast_in_dim3A_295 : vector<16xi1>, vector<16xf32>
      %add3A_297 = arith.addf %add3A_284, %select_n3A_296 : vector<16xf32>
      %add3A_298 = arith.constant 17 : i32
      %add3A_299 = vector.broadcast %add3A_298 : i32 to vector<16xi32>
      %add3A_300 = arith.addi %add3A_80, %add3A_299 : vector<16xi32>
      %gather3A_301 = tpu.vector_load_idx %arg8[%add3A_300] : memref<640xi32, #tpu.memory_space<vmem>>[vector<16xi32>], vector<16xi32>,
      %ne3A_302 = arith.constant 0 : i32
      %ne3A_303 = vector.broadcast %ne3A_302 : i32 to vector<16xi32>
      %ne3A_304 = arith.cmpi ne, %gather3A_301, %ne3A_303 : vector<16xi32>
      %jit3A_305 = arith.constant 1.000000e+00 : f32
      %jit3A_306 = arith.constant 0.000000e+00 : f32
      %broadcast_in_dim3A_307 = vector.broadcast %jit3A_305 : f32 to vector<16xf32>
      %broadcast_in_dim3A_308 = vector.broadcast %jit3A_306 : f32 to vector<16xf32>
      %select_n3A_309 = arith.select %ne3A_304, %broadcast_in_dim3A_307, %broadcast_in_dim3A_308 : vector<16xi1>, vector<16xf32>
      %add3A_310 = arith.addf %add3A_297, %select_n3A_309 : vector<16xf32>
      %add3A_311 = arith.constant 18 : i32
      %add3A_312 = vector.broadcast %add3A_311 : i32 to vector<16xi32>
      %add3A_313 = arith.addi %add3A_80, %add3A_312 : vector<16xi32>
      %gather3A_314 = tpu.vector_load_idx %arg8[%add3A_313] : memref<640xi32, #tpu.memory_space<vmem>>[vector<16xi32>], vector<16xi32>,
      %ne3A_315 = arith.constant 0 : i32
      %ne3A_316 = vector.broadcast %ne3A_315 : i32 to vector<16xi32>
      %ne3A_317 = arith.cmpi ne, %gather3A_314, %ne3A_316 : vector<16xi32>
      %jit3A_318 = arith.constant 1.000000e+00 : f32
      %jit3A_319 = arith.constant 0.000000e+00 : f32
      %broadcast_in_dim3A_320 = vector.broadcast %jit3A_318 : f32 to vector<16xf32>
      %broadcast_in_dim3A_321 = vector.broadcast %jit3A_319 : f32 to vector<16xf32>
      %select_n3A_322 = arith.select %ne3A_317, %broadcast_in_dim3A_320, %broadcast_in_dim3A_321 : vector<16xi1>, vector<16xf32>
      %add3A_323 = arith.addf %add3A_310, %select_n3A_322 : vector<16xf32>
      %add3A_324 = arith.constant 19 : i32
      %add3A_325 = vector.broadcast %add3A_324 : i32 to vector<16xi32>
      %add3A_326 = arith.addi %add3A_80, %add3A_325 : vector<16xi32>
      %gather3A_327 = tpu.vector_load_idx %arg8[%add3A_326] : memref<640xi32, #tpu.memory_space<vmem>>[vector<16xi32>], vector<16xi32>,
      %ne3A_328 = arith.constant 0 : i32
      %ne3A_329 = vector.broadcast %ne3A_328 : i32 to vector<16xi32>
      %ne3A_330 = arith.cmpi ne, %gather3A_327, %ne3A_329 : vector<16xi32>
      %jit3A_331 = arith.constant 1.000000e+00 : f32
      %jit3A_332 = arith.constant 0.000000e+00 : f32
      %broadcast_in_dim3A_333 = vector.broadcast %jit3A_331 : f32 to vector<16xf32>
      %broadcast_in_dim3A_334 = vector.broadcast %jit3A_332 : f32 to vector<16xf32>
      %select_n3A_335 = arith.select %ne3A_330, %broadcast_in_dim3A_333, %broadcast_in_dim3A_334 : vector<16xi1>, vector<16xf32>
      %add3A_336 = arith.addf %add3A_323, %select_n3A_335 : vector<16xf32>
      %max3A = arith.constant 1.000000e+00 : f32
      %max3A_337 = vector.broadcast %max3A : f32 to vector<16xf32>
      %max3A_338 = arith.maximumf %add3A_336, %max3A_337 : vector<16xf32>
      %div3A = arith.constant 1.000000e+00 : f32
      %div3A_339 = vector.broadcast %div3A : f32 to vector<16xf32>
      %div3A_340 = arith.divf %div3A_339, %max3A_338 : vector<16xf32>
      %swap3A = arith.constant 0 : index
      %swap3A_341 = tpu.vector_load %arg13[%swap3A] {strides = array<i32>} : memref<32xf32, #tpu.memory_space<vmem>>, vector<16xf32>,
      tpu.vector_store %arg13[%swap3A], %div3A_340 {strides = array<i32>} : memref<32xf32, #tpu.memory_space<vmem>>, vector<16xf32>,
      %sub3A = arith.constant 2.000000e+01 : f32
      %sub3A_342 = vector.broadcast %sub3A : f32 to vector<16xf32>
      %sub3A_343 = arith.subf %sub3A_342, %add3A_336 : vector<16xf32>
      %mul3A_344 = arith.mulf %sub3A_343, %div3A_340 : vector<16xf32>
      %swap3A_345 = arith.constant 0 : index
      %swap3A_346 = tpu.vector_load %arg14[%swap3A_345] {strides = array<i32>} : memref<32xf32, #tpu.memory_space<vmem>>, vector<16xf32>,
      tpu.vector_store %arg14[%swap3A_345], %mul3A_344 {strides = array<i32>} : memref<32xf32, #tpu.memory_space<vmem>>, vector<16xf32>,
      %broadcast_in_dim3A_347 = arith.constant 0.000000e+00 : f32
      %broadcast_in_dim3A_348 = vector.broadcast %broadcast_in_dim3A_347 : f32 to vector<16xf32>
      %iota3A_349 = tpu.iota {dimensions = array<i32: 0>} : vector<16xi32>
      %mul3A_350 = arith.constant 20 : i32
      %mul3A_351 = vector.broadcast %mul3A_350 : i32 to vector<16xi32>
      %mul3A_352 = arith.muli %iota3A_349, %mul3A_351 : vector<16xi32>
      %add3A_353 = arith.constant 320 : i32
      %add3A_354 = vector.broadcast %add3A_353 : i32 to vector<16xi32>
      %add3A_355 = arith.addi %mul3A_352, %add3A_354 : vector<16xi32>
      %add3A_356 = arith.constant 0 : i32
      %add3A_357 = vector.broadcast %add3A_356 : i32 to vector<16xi32>
      %add3A_358 = arith.addi %add3A_355, %add3A_357 : vector<16xi32>
      %gather3A_359 = tpu.vector_load_idx %arg8[%add3A_358] : memref<640xi32, #tpu.memory_space<vmem>>[vector<16xi32>], vector<16xi32>,
      %ne3A_360 = arith.constant 0 : i32
      %ne3A_361 = vector.broadcast %ne3A_360 : i32 to vector<16xi32>
      %ne3A_362 = arith.cmpi ne, %gather3A_359, %ne3A_361 : vector<16xi32>
      %jit3A_363 = arith.constant 1.000000e+00 : f32
      %jit3A_364 = arith.constant 0.000000e+00 : f32
      %broadcast_in_dim3A_365 = vector.broadcast %jit3A_363 : f32 to vector<16xf32>
      %broadcast_in_dim3A_366 = vector.broadcast %jit3A_364 : f32 to vector<16xf32>
      %select_n3A_367 = arith.select %ne3A_362, %broadcast_in_dim3A_365, %broadcast_in_dim3A_366 : vector<16xi1>, vector<16xf32>
      %add3A_368 = arith.addf %broadcast_in_dim3A_348, %select_n3A_367 : vector<16xf32>
      %add3A_369 = arith.constant 1 : i32
      %add3A_370 = vector.broadcast %add3A_369 : i32 to vector<16xi32>
      %add3A_371 = arith.addi %add3A_355, %add3A_370 : vector<16xi32>
      %gather3A_372 = tpu.vector_load_idx %arg8[%add3A_371] : memref<640xi32, #tpu.memory_space<vmem>>[vector<16xi32>], vector<16xi32>,
      %ne3A_373 = arith.constant 0 : i32
      %ne3A_374 = vector.broadcast %ne3A_373 : i32 to vector<16xi32>
      %ne3A_375 = arith.cmpi ne, %gather3A_372, %ne3A_374 : vector<16xi32>
      %jit3A_376 = arith.constant 1.000000e+00 : f32
      %jit3A_377 = arith.constant 0.000000e+00 : f32
      %broadcast_in_dim3A_378 = vector.broadcast %jit3A_376 : f32 to vector<16xf32>
      %broadcast_in_dim3A_379 = vector.broadcast %jit3A_377 : f32 to vector<16xf32>
      %select_n3A_380 = arith.select %ne3A_375, %broadcast_in_dim3A_378, %broadcast_in_dim3A_379 : vector<16xi1>, vector<16xf32>
      %add3A_381 = arith.addf %add3A_368, %select_n3A_380 : vector<16xf32>
      %add3A_382 = arith.constant 2 : i32
      %add3A_383 = vector.broadcast %add3A_382 : i32 to vector<16xi32>
      %add3A_384 = arith.addi %add3A_355, %add3A_383 : vector<16xi32>
      %gather3A_385 = tpu.vector_load_idx %arg8[%add3A_384] : memref<640xi32, #tpu.memory_space<vmem>>[vector<16xi32>], vector<16xi32>,
      %ne3A_386 = arith.constant 0 : i32
      %ne3A_387 = vector.broadcast %ne3A_386 : i32 to vector<16xi32>
      %ne3A_388 = arith.cmpi ne, %gather3A_385, %ne3A_387 : vector<16xi32>
      %jit3A_389 = arith.constant 1.000000e+00 : f32
      %jit3A_390 = arith.constant 0.000000e+00 : f32
      %broadcast_in_dim3A_391 = vector.broadcast %jit3A_389 : f32 to vector<16xf32>
      %broadcast_in_dim3A_392 = vector.broadcast %jit3A_390 : f32 to vector<16xf32>
      %select_n3A_393 = arith.select %ne3A_388, %broadcast_in_dim3A_391, %broadcast_in_dim3A_392 : vector<16xi1>, vector<16xf32>
      %add3A_394 = arith.addf %add3A_381, %select_n3A_393 : vector<16xf32>
      %add3A_395 = arith.constant 3 : i32
      %add3A_396 = vector.broadcast %add3A_395 : i32 to vector<16xi32>
      %add3A_397 = arith.addi %add3A_355, %add3A_396 : vector<16xi32>
      %gather3A_398 = tpu.vector_load_idx %arg8[%add3A_397] : memref<640xi32, #tpu.memory_space<vmem>>[vector<16xi32>], vector<16xi32>,
      %ne3A_399 = arith.constant 0 : i32
      %ne3A_400 = vector.broadcast %ne3A_399 : i32 to vector<16xi32>
      %ne3A_401 = arith.cmpi ne, %gather3A_398, %ne3A_400 : vector<16xi32>
      %jit3A_402 = arith.constant 1.000000e+00 : f32
      %jit3A_403 = arith.constant 0.000000e+00 : f32
      %broadcast_in_dim3A_404 = vector.broadcast %jit3A_402 : f32 to vector<16xf32>
      %broadcast_in_dim3A_405 = vector.broadcast %jit3A_403 : f32 to vector<16xf32>
      %select_n3A_406 = arith.select %ne3A_401, %broadcast_in_dim3A_404, %broadcast_in_dim3A_405 : vector<16xi1>, vector<16xf32>
      %add3A_407 = arith.addf %add3A_394, %select_n3A_406 : vector<16xf32>
      %add3A_408 = arith.constant 4 : i32
      %add3A_409 = vector.broadcast %add3A_408 : i32 to vector<16xi32>
      %add3A_410 = arith.addi %add3A_355, %add3A_409 : vector<16xi32>
      %gather3A_411 = tpu.vector_load_idx %arg8[%add3A_410] : memref<640xi32, #tpu.memory_space<vmem>>[vector<16xi32>], vector<16xi32>,
      %ne3A_412 = arith.constant 0 : i32
      %ne3A_413 = vector.broadcast %ne3A_412 : i32 to vector<16xi32>
      %ne3A_414 = arith.cmpi ne, %gather3A_411, %ne3A_413 : vector<16xi32>
      %jit3A_415 = arith.constant 1.000000e+00 : f32
      %jit3A_416 = arith.constant 0.000000e+00 : f32
      %broadcast_in_dim3A_417 = vector.broadcast %jit3A_415 : f32 to vector<16xf32>
      %broadcast_in_dim3A_418 = vector.broadcast %jit3A_416 : f32 to vector<16xf32>
      %select_n3A_419 = arith.select %ne3A_414, %broadcast_in_dim3A_417, %broadcast_in_dim3A_418 : vector<16xi1>, vector<16xf32>
      %add3A_420 = arith.addf %add3A_407, %select_n3A_419 : vector<16xf32>
      %add3A_421 = arith.constant 5 : i32
      %add3A_422 = vector.broadcast %add3A_421 : i32 to vector<16xi32>
      %add3A_423 = arith.addi %add3A_355, %add3A_422 : vector<16xi32>
      %gather3A_424 = tpu.vector_load_idx %arg8[%add3A_423] : memref<640xi32, #tpu.memory_space<vmem>>[vector<16xi32>], vector<16xi32>,
      %ne3A_425 = arith.constant 0 : i32
      %ne3A_426 = vector.broadcast %ne3A_425 : i32 to vector<16xi32>
      %ne3A_427 = arith.cmpi ne, %gather3A_424, %ne3A_426 : vector<16xi32>
      %jit3A_428 = arith.constant 1.000000e+00 : f32
      %jit3A_429 = arith.constant 0.000000e+00 : f32
      %broadcast_in_dim3A_430 = vector.broadcast %jit3A_428 : f32 to vector<16xf32>
      %broadcast_in_dim3A_431 = vector.broadcast %jit3A_429 : f32 to vector<16xf32>
      %select_n3A_432 = arith.select %ne3A_427, %broadcast_in_dim3A_430, %broadcast_in_dim3A_431 : vector<16xi1>, vector<16xf32>
      %add3A_433 = arith.addf %add3A_420, %select_n3A_432 : vector<16xf32>
      %add3A_434 = arith.constant 6 : i32
      %add3A_435 = vector.broadcast %add3A_434 : i32 to vector<16xi32>
      %add3A_436 = arith.addi %add3A_355, %add3A_435 : vector<16xi32>
      %gather3A_437 = tpu.vector_load_idx %arg8[%add3A_436] : memref<640xi32, #tpu.memory_space<vmem>>[vector<16xi32>], vector<16xi32>,
      %ne3A_438 = arith.constant 0 : i32
      %ne3A_439 = vector.broadcast %ne3A_438 : i32 to vector<16xi32>
      %ne3A_440 = arith.cmpi ne, %gather3A_437, %ne3A_439 : vector<16xi32>
      %jit3A_441 = arith.constant 1.000000e+00 : f32
      %jit3A_442 = arith.constant 0.000000e+00 : f32
      %broadcast_in_dim3A_443 = vector.broadcast %jit3A_441 : f32 to vector<16xf32>
      %broadcast_in_dim3A_444 = vector.broadcast %jit3A_442 : f32 to vector<16xf32>
      %select_n3A_445 = arith.select %ne3A_440, %broadcast_in_dim3A_443, %broadcast_in_dim3A_444 : vector<16xi1>, vector<16xf32>
      %add3A_446 = arith.addf %add3A_433, %select_n3A_445 : vector<16xf32>
      %add3A_447 = arith.constant 7 : i32
      %add3A_448 = vector.broadcast %add3A_447 : i32 to vector<16xi32>
      %add3A_449 = arith.addi %add3A_355, %add3A_448 : vector<16xi32>
      %gather3A_450 = tpu.vector_load_idx %arg8[%add3A_449] : memref<640xi32, #tpu.memory_space<vmem>>[vector<16xi32>], vector<16xi32>,
      %ne3A_451 = arith.constant 0 : i32
      %ne3A_452 = vector.broadcast %ne3A_451 : i32 to vector<16xi32>
      %ne3A_453 = arith.cmpi ne, %gather3A_450, %ne3A_452 : vector<16xi32>
      %jit3A_454 = arith.constant 1.000000e+00 : f32
      %jit3A_455 = arith.constant 0.000000e+00 : f32
      %broadcast_in_dim3A_456 = vector.broadcast %jit3A_454 : f32 to vector<16xf32>
      %broadcast_in_dim3A_457 = vector.broadcast %jit3A_455 : f32 to vector<16xf32>
      %select_n3A_458 = arith.select %ne3A_453, %broadcast_in_dim3A_456, %broadcast_in_dim3A_457 : vector<16xi1>, vector<16xf32>
      %add3A_459 = arith.addf %add3A_446, %select_n3A_458 : vector<16xf32>
      %add3A_460 = arith.constant 8 : i32
      %add3A_461 = vector.broadcast %add3A_460 : i32 to vector<16xi32>
      %add3A_462 = arith.addi %add3A_355, %add3A_461 : vector<16xi32>
      %gather3A_463 = tpu.vector_load_idx %arg8[%add3A_462] : memref<640xi32, #tpu.memory_space<vmem>>[vector<16xi32>], vector<16xi32>,
      %ne3A_464 = arith.constant 0 : i32
      %ne3A_465 = vector.broadcast %ne3A_464 : i32 to vector<16xi32>
      %ne3A_466 = arith.cmpi ne, %gather3A_463, %ne3A_465 : vector<16xi32>
      %jit3A_467 = arith.constant 1.000000e+00 : f32
      %jit3A_468 = arith.constant 0.000000e+00 : f32
      %broadcast_in_dim3A_469 = vector.broadcast %jit3A_467 : f32 to vector<16xf32>
      %broadcast_in_dim3A_470 = vector.broadcast %jit3A_468 : f32 to vector<16xf32>
      %select_n3A_471 = arith.select %ne3A_466, %broadcast_in_dim3A_469, %broadcast_in_dim3A_470 : vector<16xi1>, vector<16xf32>
      %add3A_472 = arith.addf %add3A_459, %select_n3A_471 : vector<16xf32>
      %add3A_473 = arith.constant 9 : i32
      %add3A_474 = vector.broadcast %add3A_473 : i32 to vector<16xi32>
      %add3A_475 = arith.addi %add3A_355, %add3A_474 : vector<16xi32>
      %gather3A_476 = tpu.vector_load_idx %arg8[%add3A_475] : memref<640xi32, #tpu.memory_space<vmem>>[vector<16xi32>], vector<16xi32>,
      %ne3A_477 = arith.constant 0 : i32
      %ne3A_478 = vector.broadcast %ne3A_477 : i32 to vector<16xi32>
      %ne3A_479 = arith.cmpi ne, %gather3A_476, %ne3A_478 : vector<16xi32>
      %jit3A_480 = arith.constant 1.000000e+00 : f32
      %jit3A_481 = arith.constant 0.000000e+00 : f32
      %broadcast_in_dim3A_482 = vector.broadcast %jit3A_480 : f32 to vector<16xf32>
      %broadcast_in_dim3A_483 = vector.broadcast %jit3A_481 : f32 to vector<16xf32>
      %select_n3A_484 = arith.select %ne3A_479, %broadcast_in_dim3A_482, %broadcast_in_dim3A_483 : vector<16xi1>, vector<16xf32>
      %add3A_485 = arith.addf %add3A_472, %select_n3A_484 : vector<16xf32>
      %add3A_486 = arith.constant 10 : i32
      %add3A_487 = vector.broadcast %add3A_486 : i32 to vector<16xi32>
      %add3A_488 = arith.addi %add3A_355, %add3A_487 : vector<16xi32>
      %gather3A_489 = tpu.vector_load_idx %arg8[%add3A_488] : memref<640xi32, #tpu.memory_space<vmem>>[vector<16xi32>], vector<16xi32>,
      %ne3A_490 = arith.constant 0 : i32
      %ne3A_491 = vector.broadcast %ne3A_490 : i32 to vector<16xi32>
      %ne3A_492 = arith.cmpi ne, %gather3A_489, %ne3A_491 : vector<16xi32>
      %jit3A_493 = arith.constant 1.000000e+00 : f32
      %jit3A_494 = arith.constant 0.000000e+00 : f32
      %broadcast_in_dim3A_495 = vector.broadcast %jit3A_493 : f32 to vector<16xf32>
      %broadcast_in_dim3A_496 = vector.broadcast %jit3A_494 : f32 to vector<16xf32>
      %select_n3A_497 = arith.select %ne3A_492, %broadcast_in_dim3A_495, %broadcast_in_dim3A_496 : vector<16xi1>, vector<16xf32>
      %add3A_498 = arith.addf %add3A_485, %select_n3A_497 : vector<16xf32>
      %add3A_499 = arith.constant 11 : i32
      %add3A_500 = vector.broadcast %add3A_499 : i32 to vector<16xi32>
      %add3A_501 = arith.addi %add3A_355, %add3A_500 : vector<16xi32>
      %gather3A_502 = tpu.vector_load_idx %arg8[%add3A_501] : memref<640xi32, #tpu.memory_space<vmem>>[vector<16xi32>], vector<16xi32>,
      %ne3A_503 = arith.constant 0 : i32
      %ne3A_504 = vector.broadcast %ne3A_503 : i32 to vector<16xi32>
      %ne3A_505 = arith.cmpi ne, %gather3A_502, %ne3A_504 : vector<16xi32>
      %jit3A_506 = arith.constant 1.000000e+00 : f32
      %jit3A_507 = arith.constant 0.000000e+00 : f32
      %broadcast_in_dim3A_508 = vector.broadcast %jit3A_506 : f32 to vector<16xf32>
      %broadcast_in_dim3A_509 = vector.broadcast %jit3A_507 : f32 to vector<16xf32>
      %select_n3A_510 = arith.select %ne3A_505, %broadcast_in_dim3A_508, %broadcast_in_dim3A_509 : vector<16xi1>, vector<16xf32>
      %add3A_511 = arith.addf %add3A_498, %select_n3A_510 : vector<16xf32>
      %add3A_512 = arith.constant 12 : i32
      %add3A_513 = vector.broadcast %add3A_512 : i32 to vector<16xi32>
      %add3A_514 = arith.addi %add3A_355, %add3A_513 : vector<16xi32>
      %gather3A_515 = tpu.vector_load_idx %arg8[%add3A_514] : memref<640xi32, #tpu.memory_space<vmem>>[vector<16xi32>], vector<16xi32>,
      %ne3A_516 = arith.constant 0 : i32
      %ne3A_517 = vector.broadcast %ne3A_516 : i32 to vector<16xi32>
      %ne3A_518 = arith.cmpi ne, %gather3A_515, %ne3A_517 : vector<16xi32>
      %jit3A_519 = arith.constant 1.000000e+00 : f32
      %jit3A_520 = arith.constant 0.000000e+00 : f32
      %broadcast_in_dim3A_521 = vector.broadcast %jit3A_519 : f32 to vector<16xf32>
      %broadcast_in_dim3A_522 = vector.broadcast %jit3A_520 : f32 to vector<16xf32>
      %select_n3A_523 = arith.select %ne3A_518, %broadcast_in_dim3A_521, %broadcast_in_dim3A_522 : vector<16xi1>, vector<16xf32>
      %add3A_524 = arith.addf %add3A_511, %select_n3A_523 : vector<16xf32>
      %add3A_525 = arith.constant 13 : i32
      %add3A_526 = vector.broadcast %add3A_525 : i32 to vector<16xi32>
      %add3A_527 = arith.addi %add3A_355, %add3A_526 : vector<16xi32>
      %gather3A_528 = tpu.vector_load_idx %arg8[%add3A_527] : memref<640xi32, #tpu.memory_space<vmem>>[vector<16xi32>], vector<16xi32>,
      %ne3A_529 = arith.constant 0 : i32
      %ne3A_530 = vector.broadcast %ne3A_529 : i32 to vector<16xi32>
      %ne3A_531 = arith.cmpi ne, %gather3A_528, %ne3A_530 : vector<16xi32>
      %jit3A_532 = arith.constant 1.000000e+00 : f32
      %jit3A_533 = arith.constant 0.000000e+00 : f32
      %broadcast_in_dim3A_534 = vector.broadcast %jit3A_532 : f32 to vector<16xf32>
      %broadcast_in_dim3A_535 = vector.broadcast %jit3A_533 : f32 to vector<16xf32>
      %select_n3A_536 = arith.select %ne3A_531, %broadcast_in_dim3A_534, %broadcast_in_dim3A_535 : vector<16xi1>, vector<16xf32>
      %add3A_537 = arith.addf %add3A_524, %select_n3A_536 : vector<16xf32>
      %add3A_538 = arith.constant 14 : i32
      %add3A_539 = vector.broadcast %add3A_538 : i32 to vector<16xi32>
      %add3A_540 = arith.addi %add3A_355, %add3A_539 : vector<16xi32>
      %gather3A_541 = tpu.vector_load_idx %arg8[%add3A_540] : memref<640xi32, #tpu.memory_space<vmem>>[vector<16xi32>], vector<16xi32>,
      %ne3A_542 = arith.constant 0 : i32
      %ne3A_543 = vector.broadcast %ne3A_542 : i32 to vector<16xi32>
      %ne3A_544 = arith.cmpi ne, %gather3A_541, %ne3A_543 : vector<16xi32>
      %jit3A_545 = arith.constant 1.000000e+00 : f32
      %jit3A_546 = arith.constant 0.000000e+00 : f32
      %broadcast_in_dim3A_547 = vector.broadcast %jit3A_545 : f32 to vector<16xf32>
      %broadcast_in_dim3A_548 = vector.broadcast %jit3A_546 : f32 to vector<16xf32>
      %select_n3A_549 = arith.select %ne3A_544, %broadcast_in_dim3A_547, %broadcast_in_dim3A_548 : vector<16xi1>, vector<16xf32>
      %add3A_550 = arith.addf %add3A_537, %select_n3A_549 : vector<16xf32>
      %add3A_551 = arith.constant 15 : i32
      %add3A_552 = vector.broadcast %add3A_551 : i32 to vector<16xi32>
      %add3A_553 = arith.addi %add3A_355, %add3A_552 : vector<16xi32>
      %gather3A_554 = tpu.vector_load_idx %arg8[%add3A_553] : memref<640xi32, #tpu.memory_space<vmem>>[vector<16xi32>], vector<16xi32>,
      %ne3A_555 = arith.constant 0 : i32
      %ne3A_556 = vector.broadcast %ne3A_555 : i32 to vector<16xi32>
      %ne3A_557 = arith.cmpi ne, %gather3A_554, %ne3A_556 : vector<16xi32>
      %jit3A_558 = arith.constant 1.000000e+00 : f32
      %jit3A_559 = arith.constant 0.000000e+00 : f32
      %broadcast_in_dim3A_560 = vector.broadcast %jit3A_558 : f32 to vector<16xf32>
      %broadcast_in_dim3A_561 = vector.broadcast %jit3A_559 : f32 to vector<16xf32>
      %select_n3A_562 = arith.select %ne3A_557, %broadcast_in_dim3A_560, %broadcast_in_dim3A_561 : vector<16xi1>, vector<16xf32>
      %add3A_563 = arith.addf %add3A_550, %select_n3A_562 : vector<16xf32>
      %add3A_564 = arith.constant 16 : i32
      %add3A_565 = vector.broadcast %add3A_564 : i32 to vector<16xi32>
      %add3A_566 = arith.addi %add3A_355, %add3A_565 : vector<16xi32>
      %gather3A_567 = tpu.vector_load_idx %arg8[%add3A_566] : memref<640xi32, #tpu.memory_space<vmem>>[vector<16xi32>], vector<16xi32>,
      %ne3A_568 = arith.constant 0 : i32
      %ne3A_569 = vector.broadcast %ne3A_568 : i32 to vector<16xi32>
      %ne3A_570 = arith.cmpi ne, %gather3A_567, %ne3A_569 : vector<16xi32>
      %jit3A_571 = arith.constant 1.000000e+00 : f32
      %jit3A_572 = arith.constant 0.000000e+00 : f32
      %broadcast_in_dim3A_573 = vector.broadcast %jit3A_571 : f32 to vector<16xf32>
      %broadcast_in_dim3A_574 = vector.broadcast %jit3A_572 : f32 to vector<16xf32>
      %select_n3A_575 = arith.select %ne3A_570, %broadcast_in_dim3A_573, %broadcast_in_dim3A_574 : vector<16xi1>, vector<16xf32>
      %add3A_576 = arith.addf %add3A_563, %select_n3A_575 : vector<16xf32>
      %add3A_577 = arith.constant 17 : i32
      %add3A_578 = vector.broadcast %add3A_577 : i32 to vector<16xi32>
      %add3A_579 = arith.addi %add3A_355, %add3A_578 : vector<16xi32>
      %gather3A_580 = tpu.vector_load_idx %arg8[%add3A_579] : memref<640xi32, #tpu.memory_space<vmem>>[vector<16xi32>], vector<16xi32>,
      %ne3A_581 = arith.constant 0 : i32
      %ne3A_582 = vector.broadcast %ne3A_581 : i32 to vector<16xi32>
      %ne3A_583 = arith.cmpi ne, %gather3A_580, %ne3A_582 : vector<16xi32>
      %jit3A_584 = arith.constant 1.000000e+00 : f32
      %jit3A_585 = arith.constant 0.000000e+00 : f32
      %broadcast_in_dim3A_586 = vector.broadcast %jit3A_584 : f32 to vector<16xf32>
      %broadcast_in_dim3A_587 = vector.broadcast %jit3A_585 : f32 to vector<16xf32>
      %select_n3A_588 = arith.select %ne3A_583, %broadcast_in_dim3A_586, %broadcast_in_dim3A_587 : vector<16xi1>, vector<16xf32>
      %add3A_589 = arith.addf %add3A_576, %select_n3A_588 : vector<16xf32>
      %add3A_590 = arith.constant 18 : i32
      %add3A_591 = vector.broadcast %add3A_590 : i32 to vector<16xi32>
      %add3A_592 = arith.addi %add3A_355, %add3A_591 : vector<16xi32>
      %gather3A_593 = tpu.vector_load_idx %arg8[%add3A_592] : memref<640xi32, #tpu.memory_space<vmem>>[vector<16xi32>], vector<16xi32>,
      %ne3A_594 = arith.constant 0 : i32
      %ne3A_595 = vector.broadcast %ne3A_594 : i32 to vector<16xi32>
      %ne3A_596 = arith.cmpi ne, %gather3A_593, %ne3A_595 : vector<16xi32>
      %jit3A_597 = arith.constant 1.000000e+00 : f32
      %jit3A_598 = arith.constant 0.000000e+00 : f32
      %broadcast_in_dim3A_599 = vector.broadcast %jit3A_597 : f32 to vector<16xf32>
      %broadcast_in_dim3A_600 = vector.broadcast %jit3A_598 : f32 to vector<16xf32>
      %select_n3A_601 = arith.select %ne3A_596, %broadcast_in_dim3A_599, %broadcast_in_dim3A_600 : vector<16xi1>, vector<16xf32>
      %add3A_602 = arith.addf %add3A_589, %select_n3A_601 : vector<16xf32>
      %add3A_603 = arith.constant 19 : i32
      %add3A_604 = vector.broadcast %add3A_603 : i32 to vector<16xi32>
      %add3A_605 = arith.addi %add3A_355, %add3A_604 : vector<16xi32>
      %gather3A_606 = tpu.vector_load_idx %arg8[%add3A_605] : memref<640xi32, #tpu.memory_space<vmem>>[vector<16xi32>], vector<16xi32>,
      %ne3A_607 = arith.constant 0 : i32
      %ne3A_608 = vector.broadcast %ne3A_607 : i32 to vector<16xi32>
      %ne3A_609 = arith.cmpi ne, %gather3A_606, %ne3A_608 : vector<16xi32>
      %jit3A_610 = arith.constant 1.000000e+00 : f32
      %jit3A_611 = arith.constant 0.000000e+00 : f32
      %broadcast_in_dim3A_612 = vector.broadcast %jit3A_610 : f32 to vector<16xf32>
      %broadcast_in_dim3A_613 = vector.broadcast %jit3A_611 : f32 to vector<16xf32>
      %select_n3A_614 = arith.select %ne3A_609, %broadcast_in_dim3A_612, %broadcast_in_dim3A_613 : vector<16xi1>, vector<16xf32>
      %add3A_615 = arith.addf %add3A_602, %select_n3A_614 : vector<16xf32>
      %max3A_616 = arith.constant 1.000000e+00 : f32
      %max3A_617 = vector.broadcast %max3A_616 : f32 to vector<16xf32>
      %max3A_618 = arith.maximumf %add3A_615, %max3A_617 : vector<16xf32>
      %div3A_619 = arith.constant 1.000000e+00 : f32
      %div3A_620 = vector.broadcast %div3A_619 : f32 to vector<16xf32>
      %div3A_621 = arith.divf %div3A_620, %max3A_618 : vector<16xf32>
      %swap3A_622 = arith.constant 16 : index
      %swap3A_623 = tpu.vector_load %arg13[%swap3A_622] {strides = array<i32>} : memref<32xf32, #tpu.memory_space<vmem>>, vector<16xf32>,
      tpu.vector_store %arg13[%swap3A_622], %div3A_621 {strides = array<i32>} : memref<32xf32, #tpu.memory_space<vmem>>, vector<16xf32>,
      %sub3A_624 = arith.constant 2.000000e+01 : f32
      %sub3A_625 = vector.broadcast %sub3A_624 : f32 to vector<16xf32>
      %sub3A_626 = arith.subf %sub3A_625, %add3A_615 : vector<16xf32>
      %mul3A_627 = arith.mulf %sub3A_626, %div3A_621 : vector<16xf32>
      %swap3A_628 = arith.constant 16 : index
      %swap3A_629 = tpu.vector_load %arg14[%swap3A_628] {strides = array<i32>} : memref<32xf32, #tpu.memory_space<vmem>>, vector<16xf32>,
      tpu.vector_store %arg14[%swap3A_628], %mul3A_627 {strides = array<i32>} : memref<32xf32, #tpu.memory_space<vmem>>, vector<16xf32>,
      %dma_wait3A = arith.constant 0 : i32
      %dma_wait3A_630 = arith.constant 0 : i32
      %dma_wait3A_631 = tpu.memref_slice %arg4[%dma_wait3A, %dma_wait3A_630] : memref<100001x64xf32, #tpu.memory_space<hbm>> -> memref<100001x64xf32, #tpu.memory_space<hbm>>
      tpu.wait_indirect_dma semaphore(%arg15 : memref<!tpu.dma_semaphore, #tpu.memory_space<semaphore_mem>>) src(%dma_wait3A_631 : memref<100001x64xf32, #tpu.memory_space<hbm>>) dst(%arg9 : memref<32x64xf32, #tpu.memory_space<vmem>>)
      %dma_wait3A_632 = arith.constant 0 : i32
      %dma_wait3A_633 = arith.constant 0 : i32
      %dma_wait3A_634 = tpu.memref_slice %arg10[%dma_wait3A_632, %dma_wait3A_633] : memref<640x64xf32, #tpu.memory_space<vmem>> -> memref<128x64xf32, #tpu.memory_space<vmem>>
      %dma_wait3A_635 = arith.constant 0 : i32
      %dma_wait3A_636 = tpu.memref_slice %arg8[%dma_wait3A_635] : memref<640xi32, #tpu.memory_space<vmem>> -> memref<128xi32, #tpu.memory_space<vmem>>
      %dma_wait3A_637 = arith.constant 0 : i32
      %dma_wait3A_638 = arith.constant 0 : i32
      %dma_wait3A_639 = tpu.memref_slice %arg5[%dma_wait3A_637, %dma_wait3A_638] : memref<10000x64xf32, #tpu.memory_space<hbm>> -> memref<10000x64xf32, #tpu.memory_space<hbm>>
      tpu.wait_indirect_dma semaphore(%arg15 : memref<!tpu.dma_semaphore, #tpu.memory_space<semaphore_mem>>) src(%dma_wait3A_639 : memref<10000x64xf32, #tpu.memory_space<hbm>>) dst(%dma_wait3A_634 : memref<128x64xf32, #tpu.memory_space<vmem>>)
      %dma_wait3A_640 = arith.constant 128 : i32
      %dma_wait3A_641 = arith.constant 0 : i32
      %dma_wait3A_642 = tpu.memref_slice %arg10[%dma_wait3A_640, %dma_wait3A_641] : memref<640x64xf32, #tpu.memory_space<vmem>> -> memref<128x64xf32, #tpu.memory_space<vmem>>
      %dma_wait3A_643 = arith.constant 128 : i32
      %dma_wait3A_644 = tpu.memref_slice %arg8[%dma_wait3A_643] : memref<640xi32, #tpu.memory_space<vmem>> -> memref<128xi32, #tpu.memory_space<vmem>>
      %dma_wait3A_645 = arith.constant 0 : i32
      %dma_wait3A_646 = arith.constant 0 : i32
      %dma_wait3A_647 = tpu.memref_slice %arg5[%dma_wait3A_645, %dma_wait3A_646] : memref<10000x64xf32, #tpu.memory_space<hbm>> -> memref<10000x64xf32, #tpu.memory_space<hbm>>
      tpu.wait_indirect_dma semaphore(%arg15 : memref<!tpu.dma_semaphore, #tpu.memory_space<semaphore_mem>>) src(%dma_wait3A_647 : memref<10000x64xf32, #tpu.memory_space<hbm>>) dst(%dma_wait3A_642 : memref<128x64xf32, #tpu.memory_space<vmem>>)
      %dma_wait3A_648 = arith.constant 256 : i32
      %dma_wait3A_649 = arith.constant 0 : i32
      %dma_wait3A_650 = tpu.memref_slice %arg10[%dma_wait3A_648, %dma_wait3A_649] : memref<640x64xf32, #tpu.memory_space<vmem>> -> memref<128x64xf32, #tpu.memory_space<vmem>>
      %dma_wait3A_651 = arith.constant 256 : i32
      %dma_wait3A_652 = tpu.memref_slice %arg8[%dma_wait3A_651] : memref<640xi32, #tpu.memory_space<vmem>> -> memref<128xi32, #tpu.memory_space<vmem>>
      %dma_wait3A_653 = arith.constant 0 : i32
      %dma_wait3A_654 = arith.constant 0 : i32
      %dma_wait3A_655 = tpu.memref_slice %arg5[%dma_wait3A_653, %dma_wait3A_654] : memref<10000x64xf32, #tpu.memory_space<hbm>> -> memref<10000x64xf32, #tpu.memory_space<hbm>>
      tpu.wait_indirect_dma semaphore(%arg15 : memref<!tpu.dma_semaphore, #tpu.memory_space<semaphore_mem>>) src(%dma_wait3A_655 : memref<10000x64xf32, #tpu.memory_space<hbm>>) dst(%dma_wait3A_650 : memref<128x64xf32, #tpu.memory_space<vmem>>)
      %dma_wait3A_656 = arith.constant 384 : i32
      %dma_wait3A_657 = arith.constant 0 : i32
      %dma_wait3A_658 = tpu.memref_slice %arg10[%dma_wait3A_656, %dma_wait3A_657] : memref<640x64xf32, #tpu.memory_space<vmem>> -> memref<128x64xf32, #tpu.memory_space<vmem>>
      %dma_wait3A_659 = arith.constant 384 : i32
      %dma_wait3A_660 = tpu.memref_slice %arg8[%dma_wait3A_659] : memref<640xi32, #tpu.memory_space<vmem>> -> memref<128xi32, #tpu.memory_space<vmem>>
      %dma_wait3A_661 = arith.constant 0 : i32
      %dma_wait3A_662 = arith.constant 0 : i32
      %dma_wait3A_663 = tpu.memref_slice %arg5[%dma_wait3A_661, %dma_wait3A_662] : memref<10000x64xf32, #tpu.memory_space<hbm>> -> memref<10000x64xf32, #tpu.memory_space<hbm>>
      tpu.wait_indirect_dma semaphore(%arg15 : memref<!tpu.dma_semaphore, #tpu.memory_space<semaphore_mem>>) src(%dma_wait3A_663 : memref<10000x64xf32, #tpu.memory_space<hbm>>) dst(%dma_wait3A_658 : memref<128x64xf32, #tpu.memory_space<vmem>>)
      %dma_wait3A_664 = arith.constant 512 : i32
      %dma_wait3A_665 = arith.constant 0 : i32
      %dma_wait3A_666 = tpu.memref_slice %arg10[%dma_wait3A_664, %dma_wait3A_665] : memref<640x64xf32, #tpu.memory_space<vmem>> -> memref<128x64xf32, #tpu.memory_space<vmem>>
      %dma_wait3A_667 = arith.constant 512 : i32
      %dma_wait3A_668 = tpu.memref_slice %arg8[%dma_wait3A_667] : memref<640xi32, #tpu.memory_space<vmem>> -> memref<128xi32, #tpu.memory_space<vmem>>
      %dma_wait3A_669 = arith.constant 0 : i32
      %dma_wait3A_670 = arith.constant 0 : i32
      %dma_wait3A_671 = tpu.memref_slice %arg5[%dma_wait3A_669, %dma_wait3A_670] : memref<10000x64xf32, #tpu.memory_space<hbm>> -> memref<10000x64xf32, #tpu.memory_space<hbm>>
      tpu.wait_indirect_dma semaphore(%arg15 : memref<!tpu.dma_semaphore, #tpu.memory_space<semaphore_mem>>) src(%dma_wait3A_671 : memref<10000x64xf32, #tpu.memory_space<hbm>>) dst(%dma_wait3A_666 : memref<128x64xf32, #tpu.memory_space<vmem>>)
      %scan3A_672 = arith.constant 0 : i32
      %scan3A_673 = arith.constant 32 : i32
      %scan3A_674 = arith.addi %scan3A_672, %scan3A_673 : i32
      %scan3A_675 = arith.constant 1 : i32
      scf.for %scan3A_677 = %scan3A_672 to %scan3A_674 step %scan3A_675  : i32 {
        %mul3A_678 = arith.constant 1 : i32
        %mul3A_679 = arith.muli %scan3A_677, %mul3A_678 : i32
        %add3A_680 = arith.constant 0 : i32
        %add3A_681 = arith.addi %add3A_680, %mul3A_679 : i32
        %broadcast_in_dim3A_682 = arith.constant 0 : i32
        %broadcast_in_dim3A_683 = vector.broadcast %broadcast_in_dim3A_682 : i32 to vector<16xi32>
        %add3A_684 = vector.broadcast %add3A_681 : i32 to vector<16xi32>
        %add3A_685 = arith.addi %broadcast_in_dim3A_683, %add3A_684 : vector<16xi32>
        %gather3A_686 = tpu.vector_load_idx %arg13[%add3A_685] : memref<32xf32, #tpu.memory_space<vmem>>[vector<16xi32>], vector<16xf32>,
        %gather3A_687 = tpu.vector_load_idx %arg14[%add3A_685] : memref<32xf32, #tpu.memory_space<vmem>>[vector<16xi32>], vector<16xf32>,
        %mul3A_688 = arith.constant 20 : i32
        %mul3A_689 = arith.muli %add3A_681, %mul3A_688 : i32
        %get3A_690 = arith.index_cast %mul3A_689 : i32 to index
        %get3A_691 = arith.constant 0 : index
        %get3A_692 = tpu.vector_load %arg10[%get3A_690, %get3A_691] {strides = array<i32>} : memref<640x64xf32, #tpu.memory_space<vmem>>, vector<16xf32>,
        %mul3A_693 = arith.constant 20 : i32
        %mul3A_694 = arith.muli %add3A_681, %mul3A_693 : i32
        %add3A_695 = arith.constant 1 : i32
        %add3A_696 = arith.addi %mul3A_694, %add3A_695 : i32
        %get3A_697 = arith.index_cast %add3A_696 : i32 to index
        %get3A_698 = arith.constant 0 : index
        %get3A_699 = tpu.vector_load %arg10[%get3A_697, %get3A_698] {strides = array<i32>} : memref<640x64xf32, #tpu.memory_space<vmem>>, vector<16xf32>,
        %add3A_700 = arith.addf %get3A_692, %get3A_699 : vector<16xf32>
        %mul3A_701 = arith.constant 20 : i32
        %mul3A_702 = arith.muli %add3A_681, %mul3A_701 : i32
        %add3A_703 = arith.constant 2 : i32
        %add3A_704 = arith.addi %mul3A_702, %add3A_703 : i32
        %get3A_705 = arith.index_cast %add3A_704 : i32 to index
        %get3A_706 = arith.constant 0 : index
        %get3A_707 = tpu.vector_load %arg10[%get3A_705, %get3A_706] {strides = array<i32>} : memref<640x64xf32, #tpu.memory_space<vmem>>, vector<16xf32>,
        %add3A_708 = arith.addf %add3A_700, %get3A_707 : vector<16xf32>
        %mul3A_709 = arith.constant 20 : i32
        %mul3A_710 = arith.muli %add3A_681, %mul3A_709 : i32
        %add3A_711 = arith.constant 3 : i32
        %add3A_712 = arith.addi %mul3A_710, %add3A_711 : i32
        %get3A_713 = arith.index_cast %add3A_712 : i32 to index
        %get3A_714 = arith.constant 0 : index
        %get3A_715 = tpu.vector_load %arg10[%get3A_713, %get3A_714] {strides = array<i32>} : memref<640x64xf32, #tpu.memory_space<vmem>>, vector<16xf32>,
        %add3A_716 = arith.addf %add3A_708, %get3A_715 : vector<16xf32>
        %mul3A_717 = arith.constant 20 : i32
        %mul3A_718 = arith.muli %add3A_681, %mul3A_717 : i32
        %add3A_719 = arith.constant 4 : i32
        %add3A_720 = arith.addi %mul3A_718, %add3A_719 : i32
        %get3A_721 = arith.index_cast %add3A_720 : i32 to index
        %get3A_722 = arith.constant 0 : index
        %get3A_723 = tpu.vector_load %arg10[%get3A_721, %get3A_722] {strides = array<i32>} : memref<640x64xf32, #tpu.memory_space<vmem>>, vector<16xf32>,
        %add3A_724 = arith.addf %add3A_716, %get3A_723 : vector<16xf32>
        %mul3A_725 = arith.constant 20 : i32
        %mul3A_726 = arith.muli %add3A_681, %mul3A_725 : i32
        %add3A_727 = arith.constant 5 : i32
        %add3A_728 = arith.addi %mul3A_726, %add3A_727 : i32
        %get3A_729 = arith.index_cast %add3A_728 : i32 to index
        %get3A_730 = arith.constant 0 : index
        %get3A_731 = tpu.vector_load %arg10[%get3A_729, %get3A_730] {strides = array<i32>} : memref<640x64xf32, #tpu.memory_space<vmem>>, vector<16xf32>,
        %add3A_732 = arith.addf %add3A_724, %get3A_731 : vector<16xf32>
        %mul3A_733 = arith.constant 20 : i32
        %mul3A_734 = arith.muli %add3A_681, %mul3A_733 : i32
        %add3A_735 = arith.constant 6 : i32
        %add3A_736 = arith.addi %mul3A_734, %add3A_735 : i32
        %get3A_737 = arith.index_cast %add3A_736 : i32 to index
        %get3A_738 = arith.constant 0 : index
        %get3A_739 = tpu.vector_load %arg10[%get3A_737, %get3A_738] {strides = array<i32>} : memref<640x64xf32, #tpu.memory_space<vmem>>, vector<16xf32>,
        %add3A_740 = arith.addf %add3A_732, %get3A_739 : vector<16xf32>
        %mul3A_741 = arith.constant 20 : i32
        %mul3A_742 = arith.muli %add3A_681, %mul3A_741 : i32
        %add3A_743 = arith.constant 7 : i32
        %add3A_744 = arith.addi %mul3A_742, %add3A_743 : i32
        %get3A_745 = arith.index_cast %add3A_744 : i32 to index
        %get3A_746 = arith.constant 0 : index
        %get3A_747 = tpu.vector_load %arg10[%get3A_745, %get3A_746] {strides = array<i32>} : memref<640x64xf32, #tpu.memory_space<vmem>>, vector<16xf32>,
        %add3A_748 = arith.addf %add3A_740, %get3A_747 : vector<16xf32>
        %mul3A_749 = arith.constant 20 : i32
        %mul3A_750 = arith.muli %add3A_681, %mul3A_749 : i32
        %add3A_751 = arith.constant 8 : i32
        %add3A_752 = arith.addi %mul3A_750, %add3A_751 : i32
        %get3A_753 = arith.index_cast %add3A_752 : i32 to index
        %get3A_754 = arith.constant 0 : index
        %get3A_755 = tpu.vector_load %arg10[%get3A_753, %get3A_754] {strides = array<i32>} : memref<640x64xf32, #tpu.memory_space<vmem>>, vector<16xf32>,
        %add3A_756 = arith.addf %add3A_748, %get3A_755 : vector<16xf32>
        %mul3A_757 = arith.constant 20 : i32
        %mul3A_758 = arith.muli %add3A_681, %mul3A_757 : i32
        %add3A_759 = arith.constant 9 : i32
        %add3A_760 = arith.addi %mul3A_758, %add3A_759 : i32
        %get3A_761 = arith.index_cast %add3A_760 : i32 to index
        %get3A_762 = arith.constant 0 : index
        %get3A_763 = tpu.vector_load %arg10[%get3A_761, %get3A_762] {strides = array<i32>} : memref<640x64xf32, #tpu.memory_space<vmem>>, vector<16xf32>,
        %add3A_764 = arith.addf %add3A_756, %get3A_763 : vector<16xf32>
        %mul3A_765 = arith.constant 20 : i32
        %mul3A_766 = arith.muli %add3A_681, %mul3A_765 : i32
        %add3A_767 = arith.constant 10 : i32
        %add3A_768 = arith.addi %mul3A_766, %add3A_767 : i32
        %get3A_769 = arith.index_cast %add3A_768 : i32 to index
        %get3A_770 = arith.constant 0 : index
        %get3A_771 = tpu.vector_load %arg10[%get3A_769, %get3A_770] {strides = array<i32>} : memref<640x64xf32, #tpu.memory_space<vmem>>, vector<16xf32>,
        %add3A_772 = arith.addf %add3A_764, %get3A_771 : vector<16xf32>
        %mul3A_773 = arith.constant 20 : i32
        %mul3A_774 = arith.muli %add3A_681, %mul3A_773 : i32
        %add3A_775 = arith.constant 11 : i32
        %add3A_776 = arith.addi %mul3A_774, %add3A_775 : i32
        %get3A_777 = arith.index_cast %add3A_776 : i32 to index
        %get3A_778 = arith.constant 0 : index
        %get3A_779 = tpu.vector_load %arg10[%get3A_777, %get3A_778] {strides = array<i32>} : memref<640x64xf32, #tpu.memory_space<vmem>>, vector<16xf32>,
        %add3A_780 = arith.addf %add3A_772, %get3A_779 : vector<16xf32>
        %mul3A_781 = arith.constant 20 : i32
        %mul3A_782 = arith.muli %add3A_681, %mul3A_781 : i32
        %add3A_783 = arith.constant 12 : i32
        %add3A_784 = arith.addi %mul3A_782, %add3A_783 : i32
        %get3A_785 = arith.index_cast %add3A_784 : i32 to index
        %get3A_786 = arith.constant 0 : index
        %get3A_787 = tpu.vector_load %arg10[%get3A_785, %get3A_786] {strides = array<i32>} : memref<640x64xf32, #tpu.memory_space<vmem>>, vector<16xf32>,
        %add3A_788 = arith.addf %add3A_780, %get3A_787 : vector<16xf32>
        %mul3A_789 = arith.constant 20 : i32
        %mul3A_790 = arith.muli %add3A_681, %mul3A_789 : i32
        %add3A_791 = arith.constant 13 : i32
        %add3A_792 = arith.addi %mul3A_790, %add3A_791 : i32
        %get3A_793 = arith.index_cast %add3A_792 : i32 to index
        %get3A_794 = arith.constant 0 : index
        %get3A_795 = tpu.vector_load %arg10[%get3A_793, %get3A_794] {strides = array<i32>} : memref<640x64xf32, #tpu.memory_space<vmem>>, vector<16xf32>,
        %add3A_796 = arith.addf %add3A_788, %get3A_795 : vector<16xf32>
        %mul3A_797 = arith.constant 20 : i32
        %mul3A_798 = arith.muli %add3A_681, %mul3A_797 : i32
        %add3A_799 = arith.constant 14 : i32
        %add3A_800 = arith.addi %mul3A_798, %add3A_799 : i32
        %get3A_801 = arith.index_cast %add3A_800 : i32 to index
        %get3A_802 = arith.constant 0 : index
        %get3A_803 = tpu.vector_load %arg10[%get3A_801, %get3A_802] {strides = array<i32>} : memref<640x64xf32, #tpu.memory_space<vmem>>, vector<16xf32>,
        %add3A_804 = arith.addf %add3A_796, %get3A_803 : vector<16xf32>
        %mul3A_805 = arith.constant 20 : i32
        %mul3A_806 = arith.muli %add3A_681, %mul3A_805 : i32
        %add3A_807 = arith.constant 15 : i32
        %add3A_808 = arith.addi %mul3A_806, %add3A_807 : i32
        %get3A_809 = arith.index_cast %add3A_808 : i32 to index
        %get3A_810 = arith.constant 0 : index
        %get3A_811 = tpu.vector_load %arg10[%get3A_809, %get3A_810] {strides = array<i32>} : memref<640x64xf32, #tpu.memory_space<vmem>>, vector<16xf32>,
        %add3A_812 = arith.addf %add3A_804, %get3A_811 : vector<16xf32>
        %mul3A_813 = arith.constant 20 : i32
        %mul3A_814 = arith.muli %add3A_681, %mul3A_813 : i32
        %add3A_815 = arith.constant 16 : i32
        %add3A_816 = arith.addi %mul3A_814, %add3A_815 : i32
        %get3A_817 = arith.index_cast %add3A_816 : i32 to index
        %get3A_818 = arith.constant 0 : index
        %get3A_819 = tpu.vector_load %arg10[%get3A_817, %get3A_818] {strides = array<i32>} : memref<640x64xf32, #tpu.memory_space<vmem>>, vector<16xf32>,
        %add3A_820 = arith.addf %add3A_812, %get3A_819 : vector<16xf32>
        %mul3A_821 = arith.constant 20 : i32
        %mul3A_822 = arith.muli %add3A_681, %mul3A_821 : i32
        %add3A_823 = arith.constant 17 : i32
        %add3A_824 = arith.addi %mul3A_822, %add3A_823 : i32
        %get3A_825 = arith.index_cast %add3A_824 : i32 to index
        %get3A_826 = arith.constant 0 : index
        %get3A_827 = tpu.vector_load %arg10[%get3A_825, %get3A_826] {strides = array<i32>} : memref<640x64xf32, #tpu.memory_space<vmem>>, vector<16xf32>,
        %add3A_828 = arith.addf %add3A_820, %get3A_827 : vector<16xf32>
        %mul3A_829 = arith.constant 20 : i32
        %mul3A_830 = arith.muli %add3A_681, %mul3A_829 : i32
        %add3A_831 = arith.constant 18 : i32
        %add3A_832 = arith.addi %mul3A_830, %add3A_831 : i32
        %get3A_833 = arith.index_cast %add3A_832 : i32 to index
        %get3A_834 = arith.constant 0 : index
        %get3A_835 = tpu.vector_load %arg10[%get3A_833, %get3A_834] {strides = array<i32>} : memref<640x64xf32, #tpu.memory_space<vmem>>, vector<16xf32>,
        %add3A_836 = arith.addf %add3A_828, %get3A_835 : vector<16xf32>
        %mul3A_837 = arith.constant 20 : i32
        %mul3A_838 = arith.muli %add3A_681, %mul3A_837 : i32
        %add3A_839 = arith.constant 19 : i32
        %add3A_840 = arith.addi %mul3A_838, %add3A_839 : i32
        %get3A_841 = arith.index_cast %add3A_840 : i32 to index
        %get3A_842 = arith.constant 0 : index
        %get3A_843 = tpu.vector_load %arg10[%get3A_841, %get3A_842] {strides = array<i32>} : memref<640x64xf32, #tpu.memory_space<vmem>>, vector<16xf32>,
        %add3A_844 = arith.addf %add3A_836, %get3A_843 : vector<16xf32>
        %get3A_845 = arith.index_cast %add3A_681 : i32 to index
        %get3A_846 = arith.constant 0 : index
        %get3A_847 = tpu.vector_load %arg9[%get3A_845, %get3A_846] {strides = array<i32>} : memref<32x64xf32, #tpu.memory_space<vmem>>, vector<16xf32>,
        %swap3A_848 = arith.index_cast %add3A_681 : i32 to index
        %swap3A_849 = arith.constant 0 : index
        %swap3A_850 = tpu.vector_load %arg11[%swap3A_848, %swap3A_849] {strides = array<i32>} : memref<32x128xf32, #tpu.memory_space<vmem>>, vector<16xf32>,
        tpu.vector_store %arg11[%swap3A_848, %swap3A_849], %get3A_847 {strides = array<i32>} : memref<32x128xf32, #tpu.memory_space<vmem>>, vector<16xf32>,
        %mul3A_851 = arith.mulf %add3A_844, %gather3A_686 : vector<16xf32>
        %mul3A_852 = arith.mulf %get3A_5, %gather3A_687 : vector<16xf32>
        %sub3A_853 = arith.subf %mul3A_851, %mul3A_852 : vector<16xf32>
        %swap3A_854 = arith.index_cast %add3A_681 : i32 to index
        %swap3A_855 = arith.constant 64 : index
        %swap3A_856 = tpu.vector_load %arg11[%swap3A_854, %swap3A_855] {strides = array<i32>} : memref<32x128xf32, #tpu.memory_space<vmem>>, vector<16xf32>,
        tpu.vector_store %arg11[%swap3A_854, %swap3A_855], %sub3A_853 {strides = array<i32>} : memref<32x128xf32, #tpu.memory_space<vmem>>, vector<16xf32>,
        %mul3A_857 = arith.constant 20 : i32
        %mul3A_858 = arith.muli %add3A_681, %mul3A_857 : i32
        %get3A_859 = arith.index_cast %mul3A_858 : i32 to index
        %get3A_860 = arith.constant 16 : index
        %get3A_861 = tpu.vector_load %arg10[%get3A_859, %get3A_860] {strides = array<i32>} : memref<640x64xf32, #tpu.memory_space<vmem>>, vector<16xf32>,
        %mul3A_862 = arith.constant 20 : i32
        %mul3A_863 = arith.muli %add3A_681, %mul3A_862 : i32
        %add3A_864 = arith.constant 1 : i32
        %add3A_865 = arith.addi %mul3A_863, %add3A_864 : i32
        %get3A_866 = arith.index_cast %add3A_865 : i32 to index
        %get3A_867 = arith.constant 16 : index
        %get3A_868 = tpu.vector_load %arg10[%get3A_866, %get3A_867] {strides = array<i32>} : memref<640x64xf32, #tpu.memory_space<vmem>>, vector<16xf32>,
        %add3A_869 = arith.addf %get3A_861, %get3A_868 : vector<16xf32>
        %mul3A_870 = arith.constant 20 : i32
        %mul3A_871 = arith.muli %add3A_681, %mul3A_870 : i32
        %add3A_872 = arith.constant 2 : i32
        %add3A_873 = arith.addi %mul3A_871, %add3A_872 : i32
        %get3A_874 = arith.index_cast %add3A_873 : i32 to index
        %get3A_875 = arith.constant 16 : index
        %get3A_876 = tpu.vector_load %arg10[%get3A_874, %get3A_875] {strides = array<i32>} : memref<640x64xf32, #tpu.memory_space<vmem>>, vector<16xf32>,
        %add3A_877 = arith.addf %add3A_869, %get3A_876 : vector<16xf32>
        %mul3A_878 = arith.constant 20 : i32
        %mul3A_879 = arith.muli %add3A_681, %mul3A_878 : i32
        %add3A_880 = arith.constant 3 : i32
        %add3A_881 = arith.addi %mul3A_879, %add3A_880 : i32
        %get3A_882 = arith.index_cast %add3A_881 : i32 to index
        %get3A_883 = arith.constant 16 : index
        %get3A_884 = tpu.vector_load %arg10[%get3A_882, %get3A_883] {strides = array<i32>} : memref<640x64xf32, #tpu.memory_space<vmem>>, vector<16xf32>,
        %add3A_885 = arith.addf %add3A_877, %get3A_884 : vector<16xf32>
        %mul3A_886 = arith.constant 20 : i32
        %mul3A_887 = arith.muli %add3A_681, %mul3A_886 : i32
        %add3A_888 = arith.constant 4 : i32
        %add3A_889 = arith.addi %mul3A_887, %add3A_888 : i32
        %get3A_890 = arith.index_cast %add3A_889 : i32 to index
        %get3A_891 = arith.constant 16 : index
        %get3A_892 = tpu.vector_load %arg10[%get3A_890, %get3A_891] {strides = array<i32>} : memref<640x64xf32, #tpu.memory_space<vmem>>, vector<16xf32>,
        %add3A_893 = arith.addf %add3A_885, %get3A_892 : vector<16xf32>
        %mul3A_894 = arith.constant 20 : i32
        %mul3A_895 = arith.muli %add3A_681, %mul3A_894 : i32
        %add3A_896 = arith.constant 5 : i32
        %add3A_897 = arith.addi %mul3A_895, %add3A_896 : i32
        %get3A_898 = arith.index_cast %add3A_897 : i32 to index
        %get3A_899 = arith.constant 16 : index
        %get3A_900 = tpu.vector_load %arg10[%get3A_898, %get3A_899] {strides = array<i32>} : memref<640x64xf32, #tpu.memory_space<vmem>>, vector<16xf32>,
        %add3A_901 = arith.addf %add3A_893, %get3A_900 : vector<16xf32>
        %mul3A_902 = arith.constant 20 : i32
        %mul3A_903 = arith.muli %add3A_681, %mul3A_902 : i32
        %add3A_904 = arith.constant 6 : i32
        %add3A_905 = arith.addi %mul3A_903, %add3A_904 : i32
        %get3A_906 = arith.index_cast %add3A_905 : i32 to index
        %get3A_907 = arith.constant 16 : index
        %get3A_908 = tpu.vector_load %arg10[%get3A_906, %get3A_907] {strides = array<i32>} : memref<640x64xf32, #tpu.memory_space<vmem>>, vector<16xf32>,
        %add3A_909 = arith.addf %add3A_901, %get3A_908 : vector<16xf32>
        %mul3A_910 = arith.constant 20 : i32
        %mul3A_911 = arith.muli %add3A_681, %mul3A_910 : i32
        %add3A_912 = arith.constant 7 : i32
        %add3A_913 = arith.addi %mul3A_911, %add3A_912 : i32
        %get3A_914 = arith.index_cast %add3A_913 : i32 to index
        %get3A_915 = arith.constant 16 : index
        %get3A_916 = tpu.vector_load %arg10[%get3A_914, %get3A_915] {strides = array<i32>} : memref<640x64xf32, #tpu.memory_space<vmem>>, vector<16xf32>,
        %add3A_917 = arith.addf %add3A_909, %get3A_916 : vector<16xf32>
        %mul3A_918 = arith.constant 20 : i32
        %mul3A_919 = arith.muli %add3A_681, %mul3A_918 : i32
        %add3A_920 = arith.constant 8 : i32
        %add3A_921 = arith.addi %mul3A_919, %add3A_920 : i32
        %get3A_922 = arith.index_cast %add3A_921 : i32 to index
        %get3A_923 = arith.constant 16 : index
        %get3A_924 = tpu.vector_load %arg10[%get3A_922, %get3A_923] {strides = array<i32>} : memref<640x64xf32, #tpu.memory_space<vmem>>, vector<16xf32>,
        %add3A_925 = arith.addf %add3A_917, %get3A_924 : vector<16xf32>
        %mul3A_926 = arith.constant 20 : i32
        %mul3A_927 = arith.muli %add3A_681, %mul3A_926 : i32
        %add3A_928 = arith.constant 9 : i32
        %add3A_929 = arith.addi %mul3A_927, %add3A_928 : i32
        %get3A_930 = arith.index_cast %add3A_929 : i32 to index
        %get3A_931 = arith.constant 16 : index
        %get3A_932 = tpu.vector_load %arg10[%get3A_930, %get3A_931] {strides = array<i32>} : memref<640x64xf32, #tpu.memory_space<vmem>>, vector<16xf32>,
        %add3A_933 = arith.addf %add3A_925, %get3A_932 : vector<16xf32>
        %mul3A_934 = arith.constant 20 : i32
        %mul3A_935 = arith.muli %add3A_681, %mul3A_934 : i32
        %add3A_936 = arith.constant 10 : i32
        %add3A_937 = arith.addi %mul3A_935, %add3A_936 : i32
        %get3A_938 = arith.index_cast %add3A_937 : i32 to index
        %get3A_939 = arith.constant 16 : index
        %get3A_940 = tpu.vector_load %arg10[%get3A_938, %get3A_939] {strides = array<i32>} : memref<640x64xf32, #tpu.memory_space<vmem>>, vector<16xf32>,
        %add3A_941 = arith.addf %add3A_933, %get3A_940 : vector<16xf32>
        %mul3A_942 = arith.constant 20 : i32
        %mul3A_943 = arith.muli %add3A_681, %mul3A_942 : i32
        %add3A_944 = arith.constant 11 : i32
        %add3A_945 = arith.addi %mul3A_943, %add3A_944 : i32
        %get3A_946 = arith.index_cast %add3A_945 : i32 to index
        %get3A_947 = arith.constant 16 : index
        %get3A_948 = tpu.vector_load %arg10[%get3A_946, %get3A_947] {strides = array<i32>} : memref<640x64xf32, #tpu.memory_space<vmem>>, vector<16xf32>,
        %add3A_949 = arith.addf %add3A_941, %get3A_948 : vector<16xf32>
        %mul3A_950 = arith.constant 20 : i32
        %mul3A_951 = arith.muli %add3A_681, %mul3A_950 : i32
        %add3A_952 = arith.constant 12 : i32
        %add3A_953 = arith.addi %mul3A_951, %add3A_952 : i32
        %get3A_954 = arith.index_cast %add3A_953 : i32 to index
        %get3A_955 = arith.constant 16 : index
        %get3A_956 = tpu.vector_load %arg10[%get3A_954, %get3A_955] {strides = array<i32>} : memref<640x64xf32, #tpu.memory_space<vmem>>, vector<16xf32>,
        %add3A_957 = arith.addf %add3A_949, %get3A_956 : vector<16xf32>
        %mul3A_958 = arith.constant 20 : i32
        %mul3A_959 = arith.muli %add3A_681, %mul3A_958 : i32
        %add3A_960 = arith.constant 13 : i32
        %add3A_961 = arith.addi %mul3A_959, %add3A_960 : i32
        %get3A_962 = arith.index_cast %add3A_961 : i32 to index
        %get3A_963 = arith.constant 16 : index
        %get3A_964 = tpu.vector_load %arg10[%get3A_962, %get3A_963] {strides = array<i32>} : memref<640x64xf32, #tpu.memory_space<vmem>>, vector<16xf32>,
        %add3A_965 = arith.addf %add3A_957, %get3A_964 : vector<16xf32>
        %mul3A_966 = arith.constant 20 : i32
        %mul3A_967 = arith.muli %add3A_681, %mul3A_966 : i32
        %add3A_968 = arith.constant 14 : i32
        %add3A_969 = arith.addi %mul3A_967, %add3A_968 : i32
        %get3A_970 = arith.index_cast %add3A_969 : i32 to index
        %get3A_971 = arith.constant 16 : index
        %get3A_972 = tpu.vector_load %arg10[%get3A_970, %get3A_971] {strides = array<i32>} : memref<640x64xf32, #tpu.memory_space<vmem>>, vector<16xf32>,
        %add3A_973 = arith.addf %add3A_965, %get3A_972 : vector<16xf32>
        %mul3A_974 = arith.constant 20 : i32
        %mul3A_975 = arith.muli %add3A_681, %mul3A_974 : i32
        %add3A_976 = arith.constant 15 : i32
        %add3A_977 = arith.addi %mul3A_975, %add3A_976 : i32
        %get3A_978 = arith.index_cast %add3A_977 : i32 to index
        %get3A_979 = arith.constant 16 : index
        %get3A_980 = tpu.vector_load %arg10[%get3A_978, %get3A_979] {strides = array<i32>} : memref<640x64xf32, #tpu.memory_space<vmem>>, vector<16xf32>,
        %add3A_981 = arith.addf %add3A_973, %get3A_980 : vector<16xf32>
        %mul3A_982 = arith.constant 20 : i32
        %mul3A_983 = arith.muli %add3A_681, %mul3A_982 : i32
        %add3A_984 = arith.constant 16 : i32
        %add3A_985 = arith.addi %mul3A_983, %add3A_984 : i32
        %get3A_986 = arith.index_cast %add3A_985 : i32 to index
        %get3A_987 = arith.constant 16 : index
        %get3A_988 = tpu.vector_load %arg10[%get3A_986, %get3A_987] {strides = array<i32>} : memref<640x64xf32, #tpu.memory_space<vmem>>, vector<16xf32>,
        %add3A_989 = arith.addf %add3A_981, %get3A_988 : vector<16xf32>
        %mul3A_990 = arith.constant 20 : i32
        %mul3A_991 = arith.muli %add3A_681, %mul3A_990 : i32
        %add3A_992 = arith.constant 17 : i32
        %add3A_993 = arith.addi %mul3A_991, %add3A_992 : i32
        %get3A_994 = arith.index_cast %add3A_993 : i32 to index
        %get3A_995 = arith.constant 16 : index
        %get3A_996 = tpu.vector_load %arg10[%get3A_994, %get3A_995] {strides = array<i32>} : memref<640x64xf32, #tpu.memory_space<vmem>>, vector<16xf32>,
        %add3A_997 = arith.addf %add3A_989, %get3A_996 : vector<16xf32>
        %mul3A_998 = arith.constant 20 : i32
        %mul3A_999 = arith.muli %add3A_681, %mul3A_998 : i32
        %add3A_1000 = arith.constant 18 : i32
        %add3A_1001 = arith.addi %mul3A_999, %add3A_1000 : i32
        %get3A_1002 = arith.index_cast %add3A_1001 : i32 to index
        %get3A_1003 = arith.constant 16 : index
        %get3A_1004 = tpu.vector_load %arg10[%get3A_1002, %get3A_1003] {strides = array<i32>} : memref<640x64xf32, #tpu.memory_space<vmem>>, vector<16xf32>,
        %add3A_1005 = arith.addf %add3A_997, %get3A_1004 : vector<16xf32>
        %mul3A_1006 = arith.constant 20 : i32
        %mul3A_1007 = arith.muli %add3A_681, %mul3A_1006 : i32
        %add3A_1008 = arith.constant 19 : i32
        %add3A_1009 = arith.addi %mul3A_1007, %add3A_1008 : i32
        %get3A_1010 = arith.index_cast %add3A_1009 : i32 to index
        %get3A_1011 = arith.constant 16 : index
        %get3A_1012 = tpu.vector_load %arg10[%get3A_1010, %get3A_1011] {strides = array<i32>} : memref<640x64xf32, #tpu.memory_space<vmem>>, vector<16xf32>,
        %add3A_1013 = arith.addf %add3A_1005, %get3A_1012 : vector<16xf32>
        %get3A_1014 = arith.index_cast %add3A_681 : i32 to index
        %get3A_1015 = arith.constant 16 : index
        %get3A_1016 = tpu.vector_load %arg9[%get3A_1014, %get3A_1015] {strides = array<i32>} : memref<32x64xf32, #tpu.memory_space<vmem>>, vector<16xf32>,
        %swap3A_1017 = arith.index_cast %add3A_681 : i32 to index
        %swap3A_1018 = arith.constant 16 : index
        %swap3A_1019 = tpu.vector_load %arg11[%swap3A_1017, %swap3A_1018] {strides = array<i32>} : memref<32x128xf32, #tpu.memory_space<vmem>>, vector<16xf32>,
        tpu.vector_store %arg11[%swap3A_1017, %swap3A_1018], %get3A_1016 {strides = array<i32>} : memref<32x128xf32, #tpu.memory_space<vmem>>, vector<16xf32>,
        %mul3A_1020 = arith.mulf %add3A_1013, %gather3A_686 : vector<16xf32>
        %mul3A_1021 = arith.mulf %get3A_9, %gather3A_687 : vector<16xf32>
        %sub3A_1022 = arith.subf %mul3A_1020, %mul3A_1021 : vector<16xf32>
        %swap3A_1023 = arith.index_cast %add3A_681 : i32 to index
        %swap3A_1024 = arith.constant 80 : index
        %swap3A_1025 = tpu.vector_load %arg11[%swap3A_1023, %swap3A_1024] {strides = array<i32>} : memref<32x128xf32, #tpu.memory_space<vmem>>, vector<16xf32>,
        tpu.vector_store %arg11[%swap3A_1023, %swap3A_1024], %sub3A_1022 {strides = array<i32>} : memref<32x128xf32, #tpu.memory_space<vmem>>, vector<16xf32>,
        %mul3A_1026 = arith.constant 20 : i32
        %mul3A_1027 = arith.muli %add3A_681, %mul3A_1026 : i32
        %get3A_1028 = arith.index_cast %mul3A_1027 : i32 to index
        %get3A_1029 = arith.constant 32 : index
        %get3A_1030 = tpu.vector_load %arg10[%get3A_1028, %get3A_1029] {strides = array<i32>} : memref<640x64xf32, #tpu.memory_space<vmem>>, vector<16xf32>,
        %mul3A_1031 = arith.constant 20 : i32
        %mul3A_1032 = arith.muli %add3A_681, %mul3A_1031 : i32
        %add3A_1033 = arith.constant 1 : i32
        %add3A_1034 = arith.addi %mul3A_1032, %add3A_1033 : i32
        %get3A_1035 = arith.index_cast %add3A_1034 : i32 to index
        %get3A_1036 = arith.constant 32 : index
        %get3A_1037 = tpu.vector_load %arg10[%get3A_1035, %get3A_1036] {strides = array<i32>} : memref<640x64xf32, #tpu.memory_space<vmem>>, vector<16xf32>,
        %add3A_1038 = arith.addf %get3A_1030, %get3A_1037 : vector<16xf32>
        %mul3A_1039 = arith.constant 20 : i32
        %mul3A_1040 = arith.muli %add3A_681, %mul3A_1039 : i32
        %add3A_1041 = arith.constant 2 : i32
        %add3A_1042 = arith.addi %mul3A_1040, %add3A_1041 : i32
        %get3A_1043 = arith.index_cast %add3A_1042 : i32 to index
        %get3A_1044 = arith.constant 32 : index
        %get3A_1045 = tpu.vector_load %arg10[%get3A_1043, %get3A_1044] {strides = array<i32>} : memref<640x64xf32, #tpu.memory_space<vmem>>, vector<16xf32>,
        %add3A_1046 = arith.addf %add3A_1038, %get3A_1045 : vector<16xf32>
        %mul3A_1047 = arith.constant 20 : i32
        %mul3A_1048 = arith.muli %add3A_681, %mul3A_1047 : i32
        %add3A_1049 = arith.constant 3 : i32
        %add3A_1050 = arith.addi %mul3A_1048, %add3A_1049 : i32
        %get3A_1051 = arith.index_cast %add3A_1050 : i32 to index
        %get3A_1052 = arith.constant 32 : index
        %get3A_1053 = tpu.vector_load %arg10[%get3A_1051, %get3A_1052] {strides = array<i32>} : memref<640x64xf32, #tpu.memory_space<vmem>>, vector<16xf32>,
        %add3A_1054 = arith.addf %add3A_1046, %get3A_1053 : vector<16xf32>
        %mul3A_1055 = arith.constant 20 : i32
        %mul3A_1056 = arith.muli %add3A_681, %mul3A_1055 : i32
        %add3A_1057 = arith.constant 4 : i32
        %add3A_1058 = arith.addi %mul3A_1056, %add3A_1057 : i32
        %get3A_1059 = arith.index_cast %add3A_1058 : i32 to index
        %get3A_1060 = arith.constant 32 : index
        %get3A_1061 = tpu.vector_load %arg10[%get3A_1059, %get3A_1060] {strides = array<i32>} : memref<640x64xf32, #tpu.memory_space<vmem>>, vector<16xf32>,
        %add3A_1062 = arith.addf %add3A_1054, %get3A_1061 : vector<16xf32>
        %mul3A_1063 = arith.constant 20 : i32
        %mul3A_1064 = arith.muli %add3A_681, %mul3A_1063 : i32
        %add3A_1065 = arith.constant 5 : i32
        %add3A_1066 = arith.addi %mul3A_1064, %add3A_1065 : i32
        %get3A_1067 = arith.index_cast %add3A_1066 : i32 to index
        %get3A_1068 = arith.constant 32 : index
        %get3A_1069 = tpu.vector_load %arg10[%get3A_1067, %get3A_1068] {strides = array<i32>} : memref<640x64xf32, #tpu.memory_space<vmem>>, vector<16xf32>,
        %add3A_1070 = arith.addf %add3A_1062, %get3A_1069 : vector<16xf32>
        %mul3A_1071 = arith.constant 20 : i32
        %mul3A_1072 = arith.muli %add3A_681, %mul3A_1071 : i32
        %add3A_1073 = arith.constant 6 : i32
        %add3A_1074 = arith.addi %mul3A_1072, %add3A_1073 : i32
        %get3A_1075 = arith.index_cast %add3A_1074 : i32 to index
        %get3A_1076 = arith.constant 32 : index
        %get3A_1077 = tpu.vector_load %arg10[%get3A_1075, %get3A_1076] {strides = array<i32>} : memref<640x64xf32, #tpu.memory_space<vmem>>, vector<16xf32>,
        %add3A_1078 = arith.addf %add3A_1070, %get3A_1077 : vector<16xf32>
        %mul3A_1079 = arith.constant 20 : i32
        %mul3A_1080 = arith.muli %add3A_681, %mul3A_1079 : i32
        %add3A_1081 = arith.constant 7 : i32
        %add3A_1082 = arith.addi %mul3A_1080, %add3A_1081 : i32
        %get3A_1083 = arith.index_cast %add3A_1082 : i32 to index
        %get3A_1084 = arith.constant 32 : index
        %get3A_1085 = tpu.vector_load %arg10[%get3A_1083, %get3A_1084] {strides = array<i32>} : memref<640x64xf32, #tpu.memory_space<vmem>>, vector<16xf32>,
        %add3A_1086 = arith.addf %add3A_1078, %get3A_1085 : vector<16xf32>
        %mul3A_1087 = arith.constant 20 : i32
        %mul3A_1088 = arith.muli %add3A_681, %mul3A_1087 : i32
        %add3A_1089 = arith.constant 8 : i32
        %add3A_1090 = arith.addi %mul3A_1088, %add3A_1089 : i32
        %get3A_1091 = arith.index_cast %add3A_1090 : i32 to index
        %get3A_1092 = arith.constant 32 : index
        %get3A_1093 = tpu.vector_load %arg10[%get3A_1091, %get3A_1092] {strides = array<i32>} : memref<640x64xf32, #tpu.memory_space<vmem>>, vector<16xf32>,
        %add3A_1094 = arith.addf %add3A_1086, %get3A_1093 : vector<16xf32>
        %mul3A_1095 = arith.constant 20 : i32
        %mul3A_1096 = arith.muli %add3A_681, %mul3A_1095 : i32
        %add3A_1097 = arith.constant 9 : i32
        %add3A_1098 = arith.addi %mul3A_1096, %add3A_1097 : i32
        %get3A_1099 = arith.index_cast %add3A_1098 : i32 to index
        %get3A_1100 = arith.constant 32 : index
        %get3A_1101 = tpu.vector_load %arg10[%get3A_1099, %get3A_1100] {strides = array<i32>} : memref<640x64xf32, #tpu.memory_space<vmem>>, vector<16xf32>,
        %add3A_1102 = arith.addf %add3A_1094, %get3A_1101 : vector<16xf32>
        %mul3A_1103 = arith.constant 20 : i32
        %mul3A_1104 = arith.muli %add3A_681, %mul3A_1103 : i32
        %add3A_1105 = arith.constant 10 : i32
        %add3A_1106 = arith.addi %mul3A_1104, %add3A_1105 : i32
        %get3A_1107 = arith.index_cast %add3A_1106 : i32 to index
        %get3A_1108 = arith.constant 32 : index
        %get3A_1109 = tpu.vector_load %arg10[%get3A_1107, %get3A_1108] {strides = array<i32>} : memref<640x64xf32, #tpu.memory_space<vmem>>, vector<16xf32>,
        %add3A_1110 = arith.addf %add3A_1102, %get3A_1109 : vector<16xf32>
        %mul3A_1111 = arith.constant 20 : i32
        %mul3A_1112 = arith.muli %add3A_681, %mul3A_1111 : i32
        %add3A_1113 = arith.constant 11 : i32
        %add3A_1114 = arith.addi %mul3A_1112, %add3A_1113 : i32
        %get3A_1115 = arith.index_cast %add3A_1114 : i32 to index
        %get3A_1116 = arith.constant 32 : index
        %get3A_1117 = tpu.vector_load %arg10[%get3A_1115, %get3A_1116] {strides = array<i32>} : memref<640x64xf32, #tpu.memory_space<vmem>>, vector<16xf32>,
        %add3A_1118 = arith.addf %add3A_1110, %get3A_1117 : vector<16xf32>
        %mul3A_1119 = arith.constant 20 : i32
        %mul3A_1120 = arith.muli %add3A_681, %mul3A_1119 : i32
        %add3A_1121 = arith.constant 12 : i32
        %add3A_1122 = arith.addi %mul3A_1120, %add3A_1121 : i32
        %get3A_1123 = arith.index_cast %add3A_1122 : i32 to index
        %get3A_1124 = arith.constant 32 : index
        %get3A_1125 = tpu.vector_load %arg10[%get3A_1123, %get3A_1124] {strides = array<i32>} : memref<640x64xf32, #tpu.memory_space<vmem>>, vector<16xf32>,
        %add3A_1126 = arith.addf %add3A_1118, %get3A_1125 : vector<16xf32>
        %mul3A_1127 = arith.constant 20 : i32
        %mul3A_1128 = arith.muli %add3A_681, %mul3A_1127 : i32
        %add3A_1129 = arith.constant 13 : i32
        %add3A_1130 = arith.addi %mul3A_1128, %add3A_1129 : i32
        %get3A_1131 = arith.index_cast %add3A_1130 : i32 to index
        %get3A_1132 = arith.constant 32 : index
        %get3A_1133 = tpu.vector_load %arg10[%get3A_1131, %get3A_1132] {strides = array<i32>} : memref<640x64xf32, #tpu.memory_space<vmem>>, vector<16xf32>,
        %add3A_1134 = arith.addf %add3A_1126, %get3A_1133 : vector<16xf32>
        %mul3A_1135 = arith.constant 20 : i32
        %mul3A_1136 = arith.muli %add3A_681, %mul3A_1135 : i32
        %add3A_1137 = arith.constant 14 : i32
        %add3A_1138 = arith.addi %mul3A_1136, %add3A_1137 : i32
        %get3A_1139 = arith.index_cast %add3A_1138 : i32 to index
        %get3A_1140 = arith.constant 32 : index
        %get3A_1141 = tpu.vector_load %arg10[%get3A_1139, %get3A_1140] {strides = array<i32>} : memref<640x64xf32, #tpu.memory_space<vmem>>, vector<16xf32>,
        %add3A_1142 = arith.addf %add3A_1134, %get3A_1141 : vector<16xf32>
        %mul3A_1143 = arith.constant 20 : i32
        %mul3A_1144 = arith.muli %add3A_681, %mul3A_1143 : i32
        %add3A_1145 = arith.constant 15 : i32
        %add3A_1146 = arith.addi %mul3A_1144, %add3A_1145 : i32
        %get3A_1147 = arith.index_cast %add3A_1146 : i32 to index
        %get3A_1148 = arith.constant 32 : index
        %get3A_1149 = tpu.vector_load %arg10[%get3A_1147, %get3A_1148] {strides = array<i32>} : memref<640x64xf32, #tpu.memory_space<vmem>>, vector<16xf32>,
        %add3A_1150 = arith.addf %add3A_1142, %get3A_1149 : vector<16xf32>
        %mul3A_1151 = arith.constant 20 : i32
        %mul3A_1152 = arith.muli %add3A_681, %mul3A_1151 : i32
        %add3A_1153 = arith.constant 16 : i32
        %add3A_1154 = arith.addi %mul3A_1152, %add3A_1153 : i32
        %get3A_1155 = arith.index_cast %add3A_1154 : i32 to index
        %get3A_1156 = arith.constant 32 : index
        %get3A_1157 = tpu.vector_load %arg10[%get3A_1155, %get3A_1156] {strides = array<i32>} : memref<640x64xf32, #tpu.memory_space<vmem>>, vector<16xf32>,
        %add3A_1158 = arith.addf %add3A_1150, %get3A_1157 : vector<16xf32>
        %mul3A_1159 = arith.constant 20 : i32
        %mul3A_1160 = arith.muli %add3A_681, %mul3A_1159 : i32
        %add3A_1161 = arith.constant 17 : i32
        %add3A_1162 = arith.addi %mul3A_1160, %add3A_1161 : i32
        %get3A_1163 = arith.index_cast %add3A_1162 : i32 to index
        %get3A_1164 = arith.constant 32 : index
        %get3A_1165 = tpu.vector_load %arg10[%get3A_1163, %get3A_1164] {strides = array<i32>} : memref<640x64xf32, #tpu.memory_space<vmem>>, vector<16xf32>,
        %add3A_1166 = arith.addf %add3A_1158, %get3A_1165 : vector<16xf32>
        %mul3A_1167 = arith.constant 20 : i32
        %mul3A_1168 = arith.muli %add3A_681, %mul3A_1167 : i32
        %add3A_1169 = arith.constant 18 : i32
        %add3A_1170 = arith.addi %mul3A_1168, %add3A_1169 : i32
        %get3A_1171 = arith.index_cast %add3A_1170 : i32 to index
        %get3A_1172 = arith.constant 32 : index
        %get3A_1173 = tpu.vector_load %arg10[%get3A_1171, %get3A_1172] {strides = array<i32>} : memref<640x64xf32, #tpu.memory_space<vmem>>, vector<16xf32>,
        %add3A_1174 = arith.addf %add3A_1166, %get3A_1173 : vector<16xf32>
        %mul3A_1175 = arith.constant 20 : i32
        %mul3A_1176 = arith.muli %add3A_681, %mul3A_1175 : i32
        %add3A_1177 = arith.constant 19 : i32
        %add3A_1178 = arith.addi %mul3A_1176, %add3A_1177 : i32
        %get3A_1179 = arith.index_cast %add3A_1178 : i32 to index
        %get3A_1180 = arith.constant 32 : index
        %get3A_1181 = tpu.vector_load %arg10[%get3A_1179, %get3A_1180] {strides = array<i32>} : memref<640x64xf32, #tpu.memory_space<vmem>>, vector<16xf32>,
        %add3A_1182 = arith.addf %add3A_1174, %get3A_1181 : vector<16xf32>
        %get3A_1183 = arith.index_cast %add3A_681 : i32 to index
        %get3A_1184 = arith.constant 32 : index
        %get3A_1185 = tpu.vector_load %arg9[%get3A_1183, %get3A_1184] {strides = array<i32>} : memref<32x64xf32, #tpu.memory_space<vmem>>, vector<16xf32>,
        %swap3A_1186 = arith.index_cast %add3A_681 : i32 to index
        %swap3A_1187 = arith.constant 32 : index
        %swap3A_1188 = tpu.vector_load %arg11[%swap3A_1186, %swap3A_1187] {strides = array<i32>} : memref<32x128xf32, #tpu.memory_space<vmem>>, vector<16xf32>,
        tpu.vector_store %arg11[%swap3A_1186, %swap3A_1187], %get3A_1185 {strides = array<i32>} : memref<32x128xf32, #tpu.memory_space<vmem>>, vector<16xf32>,
        %mul3A_1189 = arith.mulf %add3A_1182, %gather3A_686 : vector<16xf32>
        %mul3A_1190 = arith.mulf %get3A_13, %gather3A_687 : vector<16xf32>
        %sub3A_1191 = arith.subf %mul3A_1189, %mul3A_1190 : vector<16xf32>
        %swap3A_1192 = arith.index_cast %add3A_681 : i32 to index
        %swap3A_1193 = arith.constant 96 : index
        %swap3A_1194 = tpu.vector_load %arg11[%swap3A_1192, %swap3A_1193] {strides = array<i32>} : memref<32x128xf32, #tpu.memory_space<vmem>>, vector<16xf32>,
        tpu.vector_store %arg11[%swap3A_1192, %swap3A_1193], %sub3A_1191 {strides = array<i32>} : memref<32x128xf32, #tpu.memory_space<vmem>>, vector<16xf32>,
        %mul3A_1195 = arith.constant 20 : i32
        %mul3A_1196 = arith.muli %add3A_681, %mul3A_1195 : i32
        %get3A_1197 = arith.index_cast %mul3A_1196 : i32 to index
        %get3A_1198 = arith.constant 48 : index
        %get3A_1199 = tpu.vector_load %arg10[%get3A_1197, %get3A_1198] {strides = array<i32>} : memref<640x64xf32, #tpu.memory_space<vmem>>, vector<16xf32>,
        %mul3A_1200 = arith.constant 20 : i32
        %mul3A_1201 = arith.muli %add3A_681, %mul3A_1200 : i32
        %add3A_1202 = arith.constant 1 : i32
        %add3A_1203 = arith.addi %mul3A_1201, %add3A_1202 : i32
        %get3A_1204 = arith.index_cast %add3A_1203 : i32 to index
        %get3A_1205 = arith.constant 48 : index
        %get3A_1206 = tpu.vector_load %arg10[%get3A_1204, %get3A_1205] {strides = array<i32>} : memref<640x64xf32, #tpu.memory_space<vmem>>, vector<16xf32>,
        %add3A_1207 = arith.addf %get3A_1199, %get3A_1206 : vector<16xf32>
        %mul3A_1208 = arith.constant 20 : i32
        %mul3A_1209 = arith.muli %add3A_681, %mul3A_1208 : i32
        %add3A_1210 = arith.constant 2 : i32
        %add3A_1211 = arith.addi %mul3A_1209, %add3A_1210 : i32
        %get3A_1212 = arith.index_cast %add3A_1211 : i32 to index
        %get3A_1213 = arith.constant 48 : index
        %get3A_1214 = tpu.vector_load %arg10[%get3A_1212, %get3A_1213] {strides = array<i32>} : memref<640x64xf32, #tpu.memory_space<vmem>>, vector<16xf32>,
        %add3A_1215 = arith.addf %add3A_1207, %get3A_1214 : vector<16xf32>
        %mul3A_1216 = arith.constant 20 : i32
        %mul3A_1217 = arith.muli %add3A_681, %mul3A_1216 : i32
        %add3A_1218 = arith.constant 3 : i32
        %add3A_1219 = arith.addi %mul3A_1217, %add3A_1218 : i32
        %get3A_1220 = arith.index_cast %add3A_1219 : i32 to index
        %get3A_1221 = arith.constant 48 : index
        %get3A_1222 = tpu.vector_load %arg10[%get3A_1220, %get3A_1221] {strides = array<i32>} : memref<640x64xf32, #tpu.memory_space<vmem>>, vector<16xf32>,
        %add3A_1223 = arith.addf %add3A_1215, %get3A_1222 : vector<16xf32>
        %mul3A_1224 = arith.constant 20 : i32
        %mul3A_1225 = arith.muli %add3A_681, %mul3A_1224 : i32
        %add3A_1226 = arith.constant 4 : i32
        %add3A_1227 = arith.addi %mul3A_1225, %add3A_1226 : i32
        %get3A_1228 = arith.index_cast %add3A_1227 : i32 to index
        %get3A_1229 = arith.constant 48 : index
        %get3A_1230 = tpu.vector_load %arg10[%get3A_1228, %get3A_1229] {strides = array<i32>} : memref<640x64xf32, #tpu.memory_space<vmem>>, vector<16xf32>,
        %add3A_1231 = arith.addf %add3A_1223, %get3A_1230 : vector<16xf32>
        %mul3A_1232 = arith.constant 20 : i32
        %mul3A_1233 = arith.muli %add3A_681, %mul3A_1232 : i32
        %add3A_1234 = arith.constant 5 : i32
        %add3A_1235 = arith.addi %mul3A_1233, %add3A_1234 : i32
        %get3A_1236 = arith.index_cast %add3A_1235 : i32 to index
        %get3A_1237 = arith.constant 48 : index
        %get3A_1238 = tpu.vector_load %arg10[%get3A_1236, %get3A_1237] {strides = array<i32>} : memref<640x64xf32, #tpu.memory_space<vmem>>, vector<16xf32>,
        %add3A_1239 = arith.addf %add3A_1231, %get3A_1238 : vector<16xf32>
        %mul3A_1240 = arith.constant 20 : i32
        %mul3A_1241 = arith.muli %add3A_681, %mul3A_1240 : i32
        %add3A_1242 = arith.constant 6 : i32
        %add3A_1243 = arith.addi %mul3A_1241, %add3A_1242 : i32
        %get3A_1244 = arith.index_cast %add3A_1243 : i32 to index
        %get3A_1245 = arith.constant 48 : index
        %get3A_1246 = tpu.vector_load %arg10[%get3A_1244, %get3A_1245] {strides = array<i32>} : memref<640x64xf32, #tpu.memory_space<vmem>>, vector<16xf32>,
        %add3A_1247 = arith.addf %add3A_1239, %get3A_1246 : vector<16xf32>
        %mul3A_1248 = arith.constant 20 : i32
        %mul3A_1249 = arith.muli %add3A_681, %mul3A_1248 : i32
        %add3A_1250 = arith.constant 7 : i32
        %add3A_1251 = arith.addi %mul3A_1249, %add3A_1250 : i32
        %get3A_1252 = arith.index_cast %add3A_1251 : i32 to index
        %get3A_1253 = arith.constant 48 : index
        %get3A_1254 = tpu.vector_load %arg10[%get3A_1252, %get3A_1253] {strides = array<i32>} : memref<640x64xf32, #tpu.memory_space<vmem>>, vector<16xf32>,
        %add3A_1255 = arith.addf %add3A_1247, %get3A_1254 : vector<16xf32>
        %mul3A_1256 = arith.constant 20 : i32
        %mul3A_1257 = arith.muli %add3A_681, %mul3A_1256 : i32
        %add3A_1258 = arith.constant 8 : i32
        %add3A_1259 = arith.addi %mul3A_1257, %add3A_1258 : i32
        %get3A_1260 = arith.index_cast %add3A_1259 : i32 to index
        %get3A_1261 = arith.constant 48 : index
        %get3A_1262 = tpu.vector_load %arg10[%get3A_1260, %get3A_1261] {strides = array<i32>} : memref<640x64xf32, #tpu.memory_space<vmem>>, vector<16xf32>,
        %add3A_1263 = arith.addf %add3A_1255, %get3A_1262 : vector<16xf32>
        %mul3A_1264 = arith.constant 20 : i32
        %mul3A_1265 = arith.muli %add3A_681, %mul3A_1264 : i32
        %add3A_1266 = arith.constant 9 : i32
        %add3A_1267 = arith.addi %mul3A_1265, %add3A_1266 : i32
        %get3A_1268 = arith.index_cast %add3A_1267 : i32 to index
        %get3A_1269 = arith.constant 48 : index
        %get3A_1270 = tpu.vector_load %arg10[%get3A_1268, %get3A_1269] {strides = array<i32>} : memref<640x64xf32, #tpu.memory_space<vmem>>, vector<16xf32>,
        %add3A_1271 = arith.addf %add3A_1263, %get3A_1270 : vector<16xf32>
        %mul3A_1272 = arith.constant 20 : i32
        %mul3A_1273 = arith.muli %add3A_681, %mul3A_1272 : i32
        %add3A_1274 = arith.constant 10 : i32
        %add3A_1275 = arith.addi %mul3A_1273, %add3A_1274 : i32
        %get3A_1276 = arith.index_cast %add3A_1275 : i32 to index
        %get3A_1277 = arith.constant 48 : index
        %get3A_1278 = tpu.vector_load %arg10[%get3A_1276, %get3A_1277] {strides = array<i32>} : memref<640x64xf32, #tpu.memory_space<vmem>>, vector<16xf32>,
        %add3A_1279 = arith.addf %add3A_1271, %get3A_1278 : vector<16xf32>
        %mul3A_1280 = arith.constant 20 : i32
        %mul3A_1281 = arith.muli %add3A_681, %mul3A_1280 : i32
        %add3A_1282 = arith.constant 11 : i32
        %add3A_1283 = arith.addi %mul3A_1281, %add3A_1282 : i32
        %get3A_1284 = arith.index_cast %add3A_1283 : i32 to index
        %get3A_1285 = arith.constant 48 : index
        %get3A_1286 = tpu.vector_load %arg10[%get3A_1284, %get3A_1285] {strides = array<i32>} : memref<640x64xf32, #tpu.memory_space<vmem>>, vector<16xf32>,
        %add3A_1287 = arith.addf %add3A_1279, %get3A_1286 : vector<16xf32>
        %mul3A_1288 = arith.constant 20 : i32
        %mul3A_1289 = arith.muli %add3A_681, %mul3A_1288 : i32
        %add3A_1290 = arith.constant 12 : i32
        %add3A_1291 = arith.addi %mul3A_1289, %add3A_1290 : i32
        %get3A_1292 = arith.index_cast %add3A_1291 : i32 to index
        %get3A_1293 = arith.constant 48 : index
        %get3A_1294 = tpu.vector_load %arg10[%get3A_1292, %get3A_1293] {strides = array<i32>} : memref<640x64xf32, #tpu.memory_space<vmem>>, vector<16xf32>,
        %add3A_1295 = arith.addf %add3A_1287, %get3A_1294 : vector<16xf32>
        %mul3A_1296 = arith.constant 20 : i32
        %mul3A_1297 = arith.muli %add3A_681, %mul3A_1296 : i32
        %add3A_1298 = arith.constant 13 : i32
        %add3A_1299 = arith.addi %mul3A_1297, %add3A_1298 : i32
        %get3A_1300 = arith.index_cast %add3A_1299 : i32 to index
        %get3A_1301 = arith.constant 48 : index
        %get3A_1302 = tpu.vector_load %arg10[%get3A_1300, %get3A_1301] {strides = array<i32>} : memref<640x64xf32, #tpu.memory_space<vmem>>, vector<16xf32>,
        %add3A_1303 = arith.addf %add3A_1295, %get3A_1302 : vector<16xf32>
        %mul3A_1304 = arith.constant 20 : i32
        %mul3A_1305 = arith.muli %add3A_681, %mul3A_1304 : i32
        %add3A_1306 = arith.constant 14 : i32
        %add3A_1307 = arith.addi %mul3A_1305, %add3A_1306 : i32
        %get3A_1308 = arith.index_cast %add3A_1307 : i32 to index
        %get3A_1309 = arith.constant 48 : index
        %get3A_1310 = tpu.vector_load %arg10[%get3A_1308, %get3A_1309] {strides = array<i32>} : memref<640x64xf32, #tpu.memory_space<vmem>>, vector<16xf32>,
        %add3A_1311 = arith.addf %add3A_1303, %get3A_1310 : vector<16xf32>
        %mul3A_1312 = arith.constant 20 : i32
        %mul3A_1313 = arith.muli %add3A_681, %mul3A_1312 : i32
        %add3A_1314 = arith.constant 15 : i32
        %add3A_1315 = arith.addi %mul3A_1313, %add3A_1314 : i32
        %get3A_1316 = arith.index_cast %add3A_1315 : i32 to index
        %get3A_1317 = arith.constant 48 : index
        %get3A_1318 = tpu.vector_load %arg10[%get3A_1316, %get3A_1317] {strides = array<i32>} : memref<640x64xf32, #tpu.memory_space<vmem>>, vector<16xf32>,
        %add3A_1319 = arith.addf %add3A_1311, %get3A_1318 : vector<16xf32>
        %mul3A_1320 = arith.constant 20 : i32
        %mul3A_1321 = arith.muli %add3A_681, %mul3A_1320 : i32
        %add3A_1322 = arith.constant 16 : i32
        %add3A_1323 = arith.addi %mul3A_1321, %add3A_1322 : i32
        %get3A_1324 = arith.index_cast %add3A_1323 : i32 to index
        %get3A_1325 = arith.constant 48 : index
        %get3A_1326 = tpu.vector_load %arg10[%get3A_1324, %get3A_1325] {strides = array<i32>} : memref<640x64xf32, #tpu.memory_space<vmem>>, vector<16xf32>,
        %add3A_1327 = arith.addf %add3A_1319, %get3A_1326 : vector<16xf32>
        %mul3A_1328 = arith.constant 20 : i32
        %mul3A_1329 = arith.muli %add3A_681, %mul3A_1328 : i32
        %add3A_1330 = arith.constant 17 : i32
        %add3A_1331 = arith.addi %mul3A_1329, %add3A_1330 : i32
        %get3A_1332 = arith.index_cast %add3A_1331 : i32 to index
        %get3A_1333 = arith.constant 48 : index
        %get3A_1334 = tpu.vector_load %arg10[%get3A_1332, %get3A_1333] {strides = array<i32>} : memref<640x64xf32, #tpu.memory_space<vmem>>, vector<16xf32>,
        %add3A_1335 = arith.addf %add3A_1327, %get3A_1334 : vector<16xf32>
        %mul3A_1336 = arith.constant 20 : i32
        %mul3A_1337 = arith.muli %add3A_681, %mul3A_1336 : i32
        %add3A_1338 = arith.constant 18 : i32
        %add3A_1339 = arith.addi %mul3A_1337, %add3A_1338 : i32
        %get3A_1340 = arith.index_cast %add3A_1339 : i32 to index
        %get3A_1341 = arith.constant 48 : index
        %get3A_1342 = tpu.vector_load %arg10[%get3A_1340, %get3A_1341] {strides = array<i32>} : memref<640x64xf32, #tpu.memory_space<vmem>>, vector<16xf32>,
        %add3A_1343 = arith.addf %add3A_1335, %get3A_1342 : vector<16xf32>
        %mul3A_1344 = arith.constant 20 : i32
        %mul3A_1345 = arith.muli %add3A_681, %mul3A_1344 : i32
        %add3A_1346 = arith.constant 19 : i32
        %add3A_1347 = arith.addi %mul3A_1345, %add3A_1346 : i32
        %get3A_1348 = arith.index_cast %add3A_1347 : i32 to index
        %get3A_1349 = arith.constant 48 : index
        %get3A_1350 = tpu.vector_load %arg10[%get3A_1348, %get3A_1349] {strides = array<i32>} : memref<640x64xf32, #tpu.memory_space<vmem>>, vector<16xf32>,
        %add3A_1351 = arith.addf %add3A_1343, %get3A_1350 : vector<16xf32>
        %get3A_1352 = arith.index_cast %add3A_681 : i32 to index
        %get3A_1353 = arith.constant 48 : index
        %get3A_1354 = tpu.vector_load %arg9[%get3A_1352, %get3A_1353] {strides = array<i32>} : memref<32x64xf32, #tpu.memory_space<vmem>>, vector<16xf32>,
        %swap3A_1355 = arith.index_cast %add3A_681 : i32 to index
        %swap3A_1356 = arith.constant 48 : index
        %swap3A_1357 = tpu.vector_load %arg11[%swap3A_1355, %swap3A_1356] {strides = array<i32>} : memref<32x128xf32, #tpu.memory_space<vmem>>, vector<16xf32>,
        tpu.vector_store %arg11[%swap3A_1355, %swap3A_1356], %get3A_1354 {strides = array<i32>} : memref<32x128xf32, #tpu.memory_space<vmem>>, vector<16xf32>,
        %mul3A_1358 = arith.mulf %add3A_1351, %gather3A_686 : vector<16xf32>
        %mul3A_1359 = arith.mulf %get3A_17, %gather3A_687 : vector<16xf32>
        %sub3A_1360 = arith.subf %mul3A_1358, %mul3A_1359 : vector<16xf32>
        %swap3A_1361 = arith.index_cast %add3A_681 : i32 to index
        %swap3A_1362 = arith.constant 112 : index
        %swap3A_1363 = tpu.vector_load %arg11[%swap3A_1361, %swap3A_1362] {strides = array<i32>} : memref<32x128xf32, #tpu.memory_space<vmem>>, vector<16xf32>,
        tpu.vector_store %arg11[%swap3A_1361, %swap3A_1362], %sub3A_1360 {strides = array<i32>} : memref<32x128xf32, #tpu.memory_space<vmem>>, vector<16xf32>,
      }
      %scan3A_676 = arith.constant 32 : i32
      "tpu.region"() ({
        %run_scoped3A = tpu.sem_alloc : memref<!tpu.dma_semaphore, #tpu.memory_space<semaphore_mem>>
        %dma_start3A_677 = arith.constant 0 : i32
        %dma_start3A_678 = tpu.memref_slice %arg6[%add3A_29, %dma_start3A_677] : memref<16384x128xf32, #tpu.memory_space<hbm>> -> memref<32x128xf32, #tpu.memory_space<hbm>>
        %dma_start3A_679 = arith.constant 0 : i32
        %dma_start3A_680 = tpu.memref_slice %arg6[%add3A_29, %dma_start3A_679] : memref<16384x128xf32, #tpu.memory_space<hbm>> -> memref<32x128xf32, #tpu.memory_space<hbm>>
        tpu.enqueue_dma source(%arg11 : memref<32x128xf32, #tpu.memory_space<vmem>>) target(%dma_start3A_680 : memref<32x128xf32, #tpu.memory_space<hbm>>) target_semaphore(%run_scoped3A : memref<!tpu.dma_semaphore, #tpu.memory_space<semaphore_mem>>)
        %dma_wait3A_681 = arith.constant 0 : i32
        %dma_wait3A_682 = tpu.memref_slice %arg6[%add3A_29, %dma_wait3A_681] : memref<16384x128xf32, #tpu.memory_space<hbm>> -> memref<32x128xf32, #tpu.memory_space<hbm>>
        %dma_wait3A_683 = arith.constant 0 : i32
        %dma_wait3A_684 = tpu.memref_slice %arg6[%add3A_29, %dma_wait3A_683] : memref<16384x128xf32, #tpu.memory_space<hbm>> -> memref<32x128xf32, #tpu.memory_space<hbm>>
        tpu.wait_dma2 semaphore(%run_scoped3A : memref<!tpu.dma_semaphore, #tpu.memory_space<semaphore_mem>>) src(%arg11 : memref<32x128xf32, #tpu.memory_space<vmem>>) dst(%dma_wait3A_684 : memref<32x128xf32, #tpu.memory_space<hbm>>)
        tpu.yield
      }) : () -> ()
    }
    %scan3A_21 = arith.constant 16 : i32
    return
  }
}

</mosaic_0001>

<sc_bundles>
// kernel: kernel.3.cloned.1.call-start
scs
__scs_entry_jumppad:
0x0: {  	(pc) =	sbr.rel $0x88, $3  }
0x1: {  	(tag) =	ssettag $0x0;
	lr =	simm.s32 $0x1  }
0x2: {  	[smem:$0x3F9D] =	sst lr;
	_ =	strace $0xD0000000  }
0x3: {  	_ = 	snop  }
0x4: {  	_ = 	snop  }
0x5: {  	_ = 	snop  }
0x6: {  	_ = 	snop  }
0x7: {  	_ = 	snop  }
__scs_overlays_trampoline_lowered:
0x8: {  	[smem:$0x3FAC] =	sst s0  }
0x9: {  	[smem:$0x3FAD] =	sst s1  }
0xa: {  	[smem:$0x3FAE] =	sst s2  }
0xb: {  	[smem:$0x3FAF] =	sst s3  }
0xc: {  	[smem:$0x3FB0] =	sst s4  }
0xd: {  	[smem:$0x3FB1] =	sst s5  }
0xe: {  	[smem:$0x3FB2] =	sst s6  }
0xf: {  	[smem:$0x3FB3] =	sst s7  }
0x10: {  	[smem:$0x3FB4] =	sst s8  }
0x11: {  	[smem:$0x3FB5] =	sst s9;
	s0 =	simm.s32 @!p0 $0x0  }
0x12: {  	s1 =	sld [smem:$0x3F9B];
	s0 =	simm.s32 @p0 $0x1  }
0x13: {  	[smem:$0x3FB6] =	sst s0;
	s0 =	simm.s32 @!p1 $0x0  }
0x14: {  	s2 =	sld [smem:$0x3F9A];
	s0 =	simm.s32 @p1 $0x1  }
0x15: {  	[smem:$0x3FB7] =	sst s0;
	s0 =	simm.s32 @!p2 $0x0  }
0x16: {  	s3 =	sld [smem:$0x3FDB];
	s0 =	simm.s32 @p2 $0x1  }
0x17: {  	s4 =	simm.s32 $0x1BF5;
	[smem:$0x3FB9] =	sst s0  }
0x18: {  	s0 =	sld [smem:$0x3F9C];
	_ =	swait.ge [sflag:s4], $0x0  }
0x19: {  	s7 =	sld [smem:$0x3F9D]  }
0x1a: {  	s8 =	sadd.s32 $0xFFFFE003, lr  }
0x1b: {  	s9 =	sadd.s32 $0xFFFFFEF7, lr;
	s5 =	simm.s32 $0xFFFFFFFF;
	p2 =	slt.u32 s8, $0xFFFFF086  }
0x1c: {  	p1 =	slt.u32 s9, $0xF7A;
	s5 =	simm.s32 @!p2 $0x0  }
0x1d: {  	s5 =	simm.s32 @p1 $0x1;
	p0 =	seq.s32 s7, s2  }
0x1e: {  	s7 =	smul.u32 @!p0 $0xF7A, s2;
	p2 =	seq.s32 @!p0 s5, $0x0  }
0x1f: {  	s9 =	smul.u32 $0xF7A, s1;
	s8 =	simm.s32 @!p0 $0x1BF5;
	p2 =	por !p2, p0  }
0x20: {  	[sflag:s8] =	ssyncset.s32 @!p0 $0xFFFFF086;
	s6 =	sadd.s32 @!p0 s3, s7;
	s7 =	simm.s32 @!p0 $0x108  }
0x21: {  	s3 =	sadd.s32 s3, s9;
	s6 =	sadd.s32 @!p0 $0x88, s6;
	s7 =	simm.s32 @p2 $0x1082  }
0x22: {  	[simem:s7], [sflag:s8] =	dma.local @!p0 [hbm:s6], $0xF7A  }
0x23: {  	s9 =	sor.u32 $0xD0000000, s2;
	s6 =	simm.s32 $0x108;
	_ =	swait.ge @!p0 [sflag:s8], $0x0  }
0x24: {  	s3 =	sadd.s32 $0x88, s3;
	s6 =	simm.s32 @!p1 $0x1082;
	[sflag:s4] =	ssyncset.s32 $0xFFFFF086  }
0x25: {  	[simem:s6], [sflag:s4] =	dma.local [hbm:s3], $0xF7A  }
0x26: {  	[smem:$0x3F9D] =	sst s1;
	(tag) =	ssettag s2;
	_ =	strace s9  }
0x27: {  	s1 =	sld [smem:$0x3FAD]  }
0x28: {  	s2 =	sld [smem:$0x3FAE]  }
0x29: {  	s4 =	sld [smem:$0x3FB0]  }
0x2a: {  	p0 =	seq.s32 s5, $0x0;
	s5 =	sld [smem:$0x3FB1]  }
0x2b: {  	s6 =	sld [smem:$0x3FB2]  }
0x2c: {  	s7 =	sld [smem:$0x3FB3]  }
0x2d: {  	s3 =	simm.s32 $0x108;
	s8 =	sld [smem:$0x3FB4]  }
0x2e: {  	s3 =	simm.s32 @!p0 $0x1082;
	s9 =	sld [smem:$0x3FB5]  }
0x2f: {  	lr =	sadd.s32 s0, s3;
	s0 =	sld [smem:$0x3FAC]  }
0x30: {  	s3 =	sld [smem:$0x3FAF]  }
0x31: {  	[smem:$0x3FB8] =	sst s10  }
0x32: {  	s10 =	sld [smem:$0x3FB6];
	_ =	sdelay $0x3  }
0x33: {  	p0 =	seq.s32 s10, $0x1;
	s10 =	sld [smem:$0x3FB8];
	_ =	sdelay $0x3  }
0x34: {  	[smem:$0x3FB8] =	sst s10  }
0x35: {  	s10 =	sld [smem:$0x3FB7];
	_ =	sdelay $0x3  }
0x36: {  	p1 =	seq.s32 s10, $0x1;
	s10 =	sld [smem:$0x3FB8];
	_ =	sdelay $0x3  }
0x37: {  	[smem:$0x3FB8] =	sst s10  }
0x38: {  	s10 =	sld [smem:$0x3FB9]  }
0x39: {  	_ = 	snop;
	(pc) =	sbr.ind lr, $3  }
0x3a: {  	_ = 	snop  }
0x3b: {  	_ = 	snop  }
0x3c: {  	p2 =	seq.s32 s10, $0x1;
	s10 =	sld [smem:$0x3FB8]  }
0x3d: {  	_ =	shalt  }
0x3e: {  	_ =	shalt  }
0x3f: {  	_ =	shalt  }
0x40: {  	_ =	shalt  }
0x41: {  	_ =	shalt  }
0x42: {  	_ =	shalt  }
0x43: {  	_ =	shalt  }
0x44: {  	_ =	shalt  }
0x45: {  	_ =	shalt  }
0x46: {  	_ =	shalt  }
0x47: {  	_ =	shalt  }
0x48: {  	_ =	shalt  }
0x49: {  	_ =	shalt  }
0x4a: {  	_ =	shalt  }
0x4b: {  	_ =	shalt  }
0x4c: {  	_ =	shalt  }
0x4d: {  	_ =	shalt  }
0x4e: {  	_ =	shalt  }
0x4f: {  	_ =	shalt  }
0x50: {  	_ =	shalt  }
0x51: {  	_ =	shalt  }
0x52: {  	_ =	shalt  }
0x53: {  	_ =	shalt  }
0x54: {  	_ =	shalt  }
0x55: {  	_ =	shalt  }
0x56: {  	_ =	shalt  }
0x57: {  	_ =	shalt  }
0x58: {  	_ =	shalt  }
0x59: {  	_ =	shalt  }
0x5a: {  	_ =	shalt  }
0x5b: {  	_ =	shalt  }
0x5c: {  	_ =	shalt  }
0x5d: {  	_ =	shalt  }
0x5e: {  	_ =	shalt  }
0x5f: {  	_ =	shalt  }
0x60: {  	_ =	shalt  }
0x61: {  	_ =	shalt  }
0x62: {  	_ =	shalt  }
0x63: {  	_ =	shalt  }
0x64: {  	_ =	shalt  }
0x65: {  	_ =	shalt  }
0x66: {  	_ =	shalt  }
0x67: {  	_ =	shalt  }
0x68: {  	_ =	shalt  }
0x69: {  	_ =	shalt  }
0x6a: {  	_ =	shalt  }
0x6b: {  	_ =	shalt  }
0x6c: {  	_ =	shalt  }
0x6d: {  	_ =	shalt  }
0x6e: {  	_ =	shalt  }
0x6f: {  	_ =	shalt  }
0x70: {  	_ =	shalt  }
0x71: {  	_ =	shalt  }
0x72: {  	_ =	shalt  }
0x73: {  	_ =	shalt  }
0x74: {  	_ =	shalt  }
0x75: {  	_ =	shalt  }
0x76: {  	_ =	shalt  }
0x77: {  	_ =	shalt  }
0x78: {  	_ =	shalt  }
0x79: {  	_ =	shalt  }
0x7a: {  	_ =	shalt  }
0x7b: {  	_ =	shalt  }
0x7c: {  	_ =	shalt  }
0x7d: {  	_ =	shalt  }
0x7e: {  	_ =	shalt  }
0x7f: {  	_ =	shalt  }
0x80: {  	_ =	shalt  }
0x81: {  	_ =	shalt  }
0x82: {  	_ =	shalt  }
0x83: {  	_ =	shalt  }
0x84: {  	_ =	shalt  }
0x85: {  	_ =	shalt  }
0x86: {  	_ =	shalt  }
0x87: {  	_ =	shalt  }
.Lfunc_end0:
.L_simem_size_0:
called_computation_lowered:
.L_overlay_start_0:
0x88: {  	s2 =	sld [smem:$0x3FD9]  }
0x89: {  	s3 =	sld [smem:$0x3FFE];
	_ =	sdelay $0x1  }
0x8a: {  	s1 =	srdreg.scid  }
0x8b: {  	s0 =	sand.u32 $0x1, s1  }
0x8c: {  	s17 =	sshll.u32 s0, $0xA;
	s2 =	sadd.s32 s3, s2  }
0x8d: {  	s2 =	sadd.s32 s2, s17  }
0x8e: {  	[smem:$0x3FC4] =	sst s2  }
0x8f: {  	_ = 	snop  }
0x90: {  	s2 =	sld [smem:$0x3FC9]  }
0x91: {  	s18 =	sld [smem:$0x3FD0];
	(tm) =	ssettm $0x1  }
0x92: {  	s4 =	sld [smem:$0x3FFB];
	_ =	sdelay $0x3  }
0x93: {  	_ =	strace s4  }
0x94: {  	s4 =	sld [smem:$0x3FFC];
	_ =	sdelay $0x3  }
0x95: {  	_ =	strace s4  }
0x96: {  	s4 =	sld [smem:$0x3FFD];
	_ =	sdelay $0x3  }
0x97: {  	_ =	strace s4  }
0x98: {  	_ =	strace $0x8FFFFFFF  }
0x99: {  	s19 =	sld [smem:$0x3FDB];
	_ =	sdelay $0x1  }
0x9a: {  	s5 =	simm.s32 $_scs_section_size  }
0x9b: {  	s6 =	simm.s32 $_size__tile_overlayer_lowered;
	s7 =	simm.s32 $_tile_overlayer_lowered  }
0x9c: {  	s22 =	simm.s32 $0x1BFF;
	s21 =	sshll.u32 s7, $0x1;
	s4 =	sadd.s32 s5, s19  }
0x9d: {  	s8 =	simm.s32 $0x0;
	s20 =	sshll.u32 s6, $0x1;
	s6 =	sadd.s32 s21, s4  }
0x9e: {  	[timem:s8], [sflag:s22] =	dma.local [hbm:s6], s20  }
0x9f: {  	_ =	swait.ge [sflag:s22], s20  }
0xa0: {  	s5 =	ssub.s32 $0x0, s20;
	[sflag:s22] =	ssyncset.done $0x0  }
0xa1: {  	[sflag:s22] =	ssyncadd.s32 s5;
	_ =	sdelay $0x1  }
0xa2: {  	s23 =	simm.s32 $0x1B8B  }
0xa3: {  	_ =	swait.ge [sflag:s23], $0x1  }
0xa4: {  	[sflag:s23] =	ssyncset.done $0x0  }
0xa5: {  	s25 =	simm.s32 $0x1B8E;
	s24 =	sld [smem:$0x3FFE];
	[sflag:s23] =	ssyncadd.s32 $0xFFFFFFFF  }
0xa6: {  	s26 =	simm.s32 $execute0_lowered;
	[smem:$0x3FD2] =	sst s25  }
0xa7: {  	s6 =	sshll.u32 s26, $0x1;
	_ =	strace $0x80000046;
	[dreg:$0x1] =	wrdreg $0xFFFFFFFF  }
0xa8: {  	s28 =	simm.s32 $_size_execute0_lowered;
	s4 =	sadd.s32 s4, s6;
	[dreg:$0x0] =	wrdreg $0x0  }
0xa9: {  	s6 =	sshll.u32 s28, $0x1;
	[dreg:$0x2] =	wrdreg s4  }
0xaa: {  	[dreg:$0x3] =	wrdreg s6  }
0xab: {  	[dreg:$0x4] =	wrdreg $0xC0  }
0xac: {  	_ =	task [dreg:s8], $0x5FFFF  }
0xad: {  	[dreg:$0x1] =	wrdreg $0xFFFFFFFF  }
0xae: {  	[dreg:$0x0] =	wrdreg $0x60  }
0xaf: {  	[dreg:$0x2] =	wrdreg s2  }
0xb0: {  	[dreg:$0x3] =	wrdreg s24  }
0xb1: {  	[dreg:$0x4] =	wrdreg s18  }
0xb2: {  	[dreg:$0x5] =	wrdreg $0x9  }
0xb3: {  	_ =	task.clear_ibuf [dreg:s8], $0x6FFFF;
	_ =	strace $0x90000046  }
0xb4: {  	s29 =	simm.s32 $0x9;
	_ =	strace $0x80000048  }
0xb5: {  	_ =	swait.ge [sflag:s29], $0x1  }
0xb6: {  	[sflag:s29] =	ssyncadd.s32 $0xFFFFFFFF  }
0xb7: {  	_ =	strace $0x90000048  }
0xb8: {  	_ =	sfence  }
0xb9: {  	s30 =	sld [smem:$0x0];
	_ =	sdelay $0x2  }
0xba: {  	s31 =	sshll.u32 s1, $0xD;
	s1 =	sshrl.u32 s1, $0x2  }
0xbb: {  	s3 =	sand.u32 $0x4000, s31;
	s1 =	sadd.s32 s1, s30  }
0xbc: {  	s0 =	sor.u32 s3, s0;
	s1 =	sshll.u32 s1, $0x11  }
0xbd: {  	s0 =	sor.u32 s1, s0  }
0xbe: {  	s0 =	sadd.s32 $0x8F2B, s0  }
0xbf: {  	[sflag:s0] =	ssyncadd.remote.s32 $0x1  }
0xc0: {  	_ =	sfence.sel $0xFFFF  }
0xc1: {  	[dreg:$0x0] =	wrdreg $0xFFFFFFFF;
	(pc) =	sbr.abs _section_cstart, $3  }
0xc2: {  	[dreg:$0x1] =	wrdreg $0xFFFFFFFF  }
0xc3: {  	_ =	task.clear_ibuf [dreg:s8], $0x2FFFF;
	_ =	strace $0x9FFFFFFF  }
0xc4: {  	(tm) =	ssettm $0x7FFFFFFF  }
0xc5: {  	_ =	shalt  }
tec
execute0_lowered:
.L_overlay_start_1:
0x0: {  	(tag) =	ssettag $0x1  }
0x1: {  	v0 =	vlaneseq.u32  }
0x2: {  	v0 =	vmul.u32 $0x14, v0  }
0x3: {  	v1 =	vimm.f32 $1.000000000e+00  }
0x4: {  	v2 =	vor.u32 $0x1, v0;
	v3 =	vor.u32 $0x2, v0;
	v4 =	vor.u32 $0x3, v0  }
0x5: {  	s0 =	rddreg [dreg:$0x1];
	s1 =	simm.s32 $0x0;
	s29 =	srdreg.scid;
	v5 =	vadd.s32 $0x4, v0;
	v6 =	vadd.s32 $0x5, v0;
	v7 =	vadd.s32 $0x6, v0  }
0x6: {  	s3 =	stileid.u32;
	s11 =	simm.s32 $0x2;
	s12 =	simm.s32 $0x20;
	v8 =	vadd.s32 $0x7, v0;
	v9 =	vadd.s32 $0x8, v0;
	v10 =	vadd.s32 $0x9, v0  }
0x7: {  	s13 =	simm.s32 $0x2A0;
	s14 =	simm.s32 $0x80;
	s15 =	simm.s32 $0xAA0;
	v11 =	vadd.s32 $0xA, v0;
	v12 =	vadd.s32 $0xB, v0;
	v13 =	vadd.s32 $0xC, v0  }
0x8: {  	s16 =	simm.s32 $0xA0;
	s17 =	simm.s32 $0x2AA0;
	s18 =	simm.s32 $0x120;
	v14 =	vadd.s32 $0xD, v0;
	v15 =	vadd.s32 $0xE, v0;
	v16 =	vadd.s32 $0xF, v0  }
0x9: {  	s19 =	simm.s32 $0x4AA0;
	s20 =	simm.s32 $0x1A0;
	s21 =	simm.s32 $0x6AA0;
	v17 =	vadd.s32 $0x10, v0;
	v18 =	vadd.s32 $0x11, v0;
	v19 =	vadd.s32 $0x12, v0  }
0xa: {  	s22 =	simm.s32 $0x220;
	s23 =	simm.s32 $0x8AA0;
	s24 =	simm.s32 $0x1;
	v20 =	vadd.s32 $0x13, v0;
	v21 =	vadd.s32 $0x140, v0;
	v22 =	vadd.s32 $0x141, v0  }
0xb: {  	s25 =	simm.s32 $0xBAE0;
	[smem:$0x7FF] =	sst s1;
	s1 =	sand.u32 $0x1, s29;
	v23 =	vadd.s32 $0x142, v0;
	v24 =	vadd.s32 $0x143, v0;
	v25 =	vadd.s32 $0x144, v0  }
0xc: {  	s26 =	simm.s32 $0xBB00;
	s28 =	simm.s32 $0xAAA0;
	s2 =	ssub.s32 $0x2, s1;
	v26 =	vadd.s32 $0x145, v0;
	v27 =	vadd.s32 $0x146, v0;
	v28 =	vadd.s32 $0x147, v0  }
0xd: {  	s4 =	sadd.s32 $0x800, s0;
	s5 =	sadd.s32 $0x187400, s0;
	s30 =	sshrl.u32 s2, $0x1;
	v29 =	vadd.s32 $0x148, v0;
	v30 =	vadd.s32 $0x149, v0;
	v31 =	vadd.s32 $0x14A, v0  }
0xe: {  	s7 =	sadd.s32 $0xA800, s0;
	s31 =	sshll.u32 s3, $0xA;
	v32 =	vadd.s32 $0x14B, v0;
	v33 =	vadd.s32 $0x14C, v0;
	v34 =	vadd.s32 $0x14D, v0;
	s0 =	ssub.s32 s2, s30  }
0xf: {  	_ =	strace $0x80000047;
	s1 =	sshll.u32 s1, $0x9;
	v35 =	vadd.s32 $0x14E, v0;
	v36 =	vadd.s32 $0x14F, v0;
	v37 =	vadd.s32 $0x150, v0;
	s0 =	smax.u32 s0, $0x1  }
0x10: {  	s8 =	sor.u32 s1, s31;
	v38 =	vadd.s32 $0x151, v0;
	v39 =	vadd.s32 $0x152, v0;
	v40 =	vadd.s32 $0x153, v0;
	s1 =	simm.s32 $0x0;
	[dreg:$0x4] =	wrdreg s0  }
.LBB2_1:
0x11: {  	[dreg:$0x5] =	wrdreg s1;
	s0 =	simm.s32 $0x0;
	s31 =	simm.s32 $0xBAA0  }
0x12: {  	[tilespmem:s31], [sflag:$0x2] =	stream.linear.gather [hbm4b:s7+s0], $0x40, $0x38;
	[tilespmem:$0xBB20] =	vst v63  }
0x13: {  	_ =	swait.ge [sflag:s11], $0x40  }
0x14: {  	[sflag:s11] =	ssyncset.done $0x0  }
0x15: {  	[sflag:s11] =	ssyncadd.s32 $0xFFFFFFC0  }
0x16: {  	v41 =	vld [tilespmem:$0xBAA0]  }
0x17: {  	v42 =	vld [tilespmem:$0xBAB0]  }
0x18: {  	v43 =	vld [tilespmem:$0xBAC0]  }
0x19: {  	s30 =	simm.s32 $0x0;
	v44 =	vld [tilespmem:$0xBAD0]  }
.LBB2_2:
0x1a: {  	s0 =	sshll.u32 s30, $0x5  }
0x1b: {  	s31 =	sadd.s32 s8, s0  }
0x1c: {  	s1 =	rddreg [dreg:$0x0];
	s0 =	sshrl.u32 s31, $0x3  }
0x1d: {  	s9 =	simm.s32 $0x0;
	s10 =	smul.u32 $0x14, s31;
	s0 =	sadd.s32 s1, s0  }
0x1e: {  	[tilespmem:s9], [sflag:$0x2] =	stream.linear.gather [hbm4b:s0+s9], $0x20, $0x38;
	[tilespmem:$0xBB20] =	vst v63  }
0x1f: {  	_ =	swait.ge [sflag:s11], $0x20  }
0x20: {  	s0 =	sshrl.u32 s10, $0x3;
	[sflag:s11] =	ssyncset.done $0x0  }
0x21: {  	s0 =	sadd.s32 s4, s0;
	[sflag:s11] =	ssyncadd.s32 $0xFFFFFFE0  }
0x22: {  	[tilespmem:s12], [sflag:$0x2] =	stream.linear.gather [hbm4b:s0+s9], $0x280, $0x38;
	[tilespmem:$0xBB20] =	vst v63  }
0x23: {  	_ =	swait.ge [sflag:s11], $0x280  }
0x24: {  	[sflag:s11] =	ssyncset.done $0x0  }
0x25: {  	[sflag:s11] =	ssyncadd.s32 $0xFFFFFD80  }
0x26: {  	[tilespmem:s13], [sflag:$0x1] =	stream.indirect.gather [hbm4b:s5+s12], $0x40, s9, s12, $0xb8;
	[tilespmem:$0xBB20] =	vst v63  }
0x27: {  	_ = 	snop  }
0x28: {  	[tilespmem:s15], [sflag:$0x1] =	stream.indirect.gather [hbm4b:s7+s14], $0x40, s12, s14, $0xb8;
	[tilespmem:$0xBB20] =	vst v63  }
0x29: {  	_ = 	snop  }
0x2a: {  	[tilespmem:s17], [sflag:$0x1] =	stream.indirect.gather [hbm4b:s7+s14], $0x40, s16, s14, $0xb8;
	[tilespmem:$0xBB20] =	vst v63  }
0x2b: {  	_ = 	snop  }
0x2c: {  	[tilespmem:s19], [sflag:$0x1] =	stream.indirect.gather [hbm4b:s7+s14], $0x40, s18, s14, $0xb8;
	[tilespmem:$0xBB20] =	vst v63  }
0x2d: {  	_ = 	snop  }
0x2e: {  	[tilespmem:s21], [sflag:$0x1] =	stream.indirect.gather [hbm4b:s7+s14], $0x40, s20, s14, $0xb8;
	[tilespmem:$0xBB20] =	vst v63  }
0x2f: {  	_ = 	snop  }
0x30: {  	[tilespmem:s23], [sflag:$0x1] =	stream.indirect.gather [hbm4b:s7+s14], $0x40, s22, s14, $0xb8;
	[tilespmem:$0xBB20] =	vst v63  }
0x31: {  	v45 =	vld.idx.msk [tilespmem:v0+s12+$0x0], $0xffff  }
0x32: {  	v46 =	vld.idx.msk [tilespmem:v2+s12+$0x0], $0xffff;
	_ =	sdelay $0x1  }
0x33: {  	v47 =	vld.idx.msk [tilespmem:v3+s12+$0x0], $0xffff;
	_ =	sdelay $0x1  }
0x34: {  	v48 =	vld.idx.msk [tilespmem:v4+s12+$0x0], $0xffff  }
0x35: {  	vm0 =	veq.s32 v45, $0x0;
	vm1 =	veq.s32 v46, $0x0  }
0x36: {  	v49 =	vld.idx.msk [tilespmem:v5+s12+$0x0], $0xffff;
	v45 =	vsel vm0, $0x0, v1;
	v46 =	vsel vm1, $0x0, v1  }
0x37: {  	vm14 =	veq.s32 v47, $0x0;
	v45 =	vadd.f32 v46, v45  }
0x38: {  	v53 =	vld.idx.msk [tilespmem:v6+s12+$0x0], $0xffff;
	v52 =	vsel vm14, $0x0, v1  }
0x39: {  	vm15 =	veq.s32 v48, $0x0;
	v45 =	vadd.f32 v52, v45  }
0x3a: {  	v55 =	vld.idx.msk [tilespmem:v7+s12+$0x0], $0xffff;
	v54 =	vsel vm15, $0x0, v1  }
0x3b: {  	vm4 =	veq.s32 v49, $0x0;
	v45 =	vadd.f32 v54, v45  }
0x3c: {  	v57 =	vld.idx.msk [tilespmem:v8+s12+$0x0], $0xffff;
	v56 =	vsel vm4, $0x0, v1  }
0x3d: {  	vm5 =	veq.s32 v53, $0x0;
	v45 =	vadd.f32 v56, v45  }
0x3e: {  	v59 =	vld.idx.msk [tilespmem:v9+s12+$0x0], $0xffff;
	v58 =	vsel vm5, $0x0, v1  }
0x3f: {  	vm6 =	veq.s32 v55, $0x0;
	v45 =	vadd.f32 v58, v45  }
0x40: {  	v61 =	vld.idx.msk [tilespmem:v10+s12+$0x0], $0xffff;
	v60 =	vsel vm6, $0x0, v1  }
0x41: {  	vm7 =	veq.s32 v57, $0x0;
	v45 =	vadd.f32 v60, v45  }
0x42: {  	v63 =	vld.idx.msk [tilespmem:v11+s12+$0x0], $0xffff;
	v62 =	vsel vm7, $0x0, v1  }
0x43: {  	vm8 =	veq.s32 v59, $0x0;
	v45 =	vadd.f32 v62, v45  }
0x44: {  	v53 =	vld.idx.msk [tilespmem:v12+s12+$0x0], $0xffff;
	v52 =	vsel vm8, $0x0, v1  }
0x45: {  	vm9 =	veq.s32 v61, $0x0;
	v45 =	vadd.f32 v52, v45  }
0x46: {  	v55 =	vld.idx.msk [tilespmem:v13+s12+$0x0], $0xffff;
	v54 =	vsel vm9, $0x0, v1  }
0x47: {  	vm10 =	veq.s32 v63, $0x0;
	v45 =	vadd.f32 v54, v45  }
0x48: {  	v57 =	vld.idx.msk [tilespmem:v14+s12+$0x0], $0xffff;
	v56 =	vsel vm10, $0x0, v1  }
0x49: {  	vm11 =	veq.s32 v53, $0x0;
	v45 =	vadd.f32 v56, v45  }
0x4a: {  	v59 =	vld.idx.msk [tilespmem:v15+s12+$0x0], $0xffff;
	v58 =	vsel vm11, $0x0, v1  }
0x4b: {  	vm12 =	veq.s32 v55, $0x0;
	v45 =	vadd.f32 v58, v45  }
0x4c: {  	v61 =	vld.idx.msk [tilespmem:v16+s12+$0x0], $0xffff;
	v60 =	vsel vm12, $0x0, v1  }
0x4d: {  	vm13 =	veq.s32 v57, $0x0;
	v45 =	vadd.f32 v60, v45  }
0x4e: {  	v63 =	vld.idx.msk [tilespmem:v17+s12+$0x0], $0xffff;
	v62 =	vsel vm13, $0x0, v1  }
0x4f: {  	vm14 =	veq.s32 v59, $0x0;
	v45 =	vadd.f32 v62, v45  }
0x50: {  	v53 =	vld.idx.msk [tilespmem:v18+s12+$0x0], $0xffff;
	v52 =	vsel vm14, $0x0, v1  }
0x51: {  	vm15 =	veq.s32 v61, $0x0;
	v45 =	vadd.f32 v52, v45  }
0x52: {  	v55 =	vld.idx.msk [tilespmem:v19+s12+$0x0], $0xffff;
	v54 =	vsel vm15, $0x0, v1  }
0x53: {  	vm4 =	veq.s32 v63, $0x0;
	v45 =	vadd.f32 v54, v45  }
0x54: {  	v57 =	vld.idx.msk [tilespmem:v20+s12+$0x0], $0xffff;
	v56 =	vsel vm4, $0x0, v1  }
0x55: {  	vm5 =	veq.s32 v53, $0x0;
	v45 =	vadd.f32 v56, v45  }
0x56: {  	v58 =	vsel vm5, $0x0, v1  }
0x57: {  	vm6 =	veq.s32 v55, $0x0;
	v45 =	vadd.f32 v58, v45  }
0x58: {  	v59 =	vsel vm6, $0x0, v1  }
0x59: {  	vm7 =	veq.s32 v57, $0x0;
	v45 =	vadd.f32 v59, v45  }
0x5a: {  	v60 =	vsel vm7, $0x0, v1  }
0x5b: {  	v45 =	vadd.f32 v60, v45;
	_ =	sdelay $0x1  }
0x5c: {  	v46 =	vmax.f32 v45, $1.000000000e+00  }
0x5d: {  	(erf) = vrcp.f32 v46;
	_ =	sdelay $0x7  }
0x5e: {  	v45 =	vsub.f32 $2.000000000e+01, v45  }
0x5f: {  	v46 =	vpop (erf)  }
0x60: {  	v45 =	vmul.f32 v46, v45  }
0x61: {  	[tilespmem:$0xBAE0] =	vst v46  }
0x62: {  	[tilespmem:$0xBB00] =	vst v45  }
0x63: {  	v45 =	vld.idx.msk [tilespmem:v21+s12+$0x0], $0xffff  }
0x64: {  	v46 =	vld.idx.msk [tilespmem:v22+s12+$0x0], $0xffff;
	_ =	sdelay $0x1  }
0x65: {  	v61 =	vld.idx.msk [tilespmem:v23+s12+$0x0], $0xffff;
	_ =	sdelay $0x1  }
0x66: {  	v62 =	vld.idx.msk [tilespmem:v24+s12+$0x0], $0xffff  }
0x67: {  	vm8 =	veq.s32 v45, $0x0;
	vm9 =	veq.s32 v46, $0x0  }
0x68: {  	v63 =	vld.idx.msk [tilespmem:v25+s12+$0x0], $0xffff;
	v45 =	vsel vm8, $0x0, v1;
	v46 =	vsel vm9, $0x0, v1  }
0x69: {  	vm10 =	veq.s32 v61, $0x0;
	v45 =	vadd.f32 v46, v45  }
0x6a: {  	v53 =	vld.idx.msk [tilespmem:v26+s12+$0x0], $0xffff;
	v52 =	vsel vm10, $0x0, v1  }
0x6b: {  	vm11 =	veq.s32 v62, $0x0;
	v45 =	vadd.f32 v52, v45  }
0x6c: {  	v55 =	vld.idx.msk [tilespmem:v27+s12+$0x0], $0xffff;
	v54 =	vsel vm11, $0x0, v1  }
0x6d: {  	vm12 =	veq.s32 v63, $0x0;
	v45 =	vadd.f32 v54, v45  }
0x6e: {  	v57 =	vld.idx.msk [tilespmem:v28+s12+$0x0], $0xffff;
	v56 =	vsel vm12, $0x0, v1  }
0x6f: {  	vm13 =	veq.s32 v53, $0x0;
	v45 =	vadd.f32 v56, v45  }
0x70: {  	v59 =	vld.idx.msk [tilespmem:v29+s12+$0x0], $0xffff;
	v58 =	vsel vm13, $0x0, v1  }
0x71: {  	vm14 =	veq.s32 v55, $0x0;
	v45 =	vadd.f32 v58, v45  }
0x72: {  	v61 =	vld.idx.msk [tilespmem:v30+s12+$0x0], $0xffff;
	v60 =	vsel vm14, $0x0, v1  }
0x73: {  	vm15 =	veq.s32 v57, $0x0;
	v45 =	vadd.f32 v60, v45  }
0x74: {  	v63 =	vld.idx.msk [tilespmem:v31+s12+$0x0], $0xffff;
	v62 =	vsel vm15, $0x0, v1  }
0x75: {  	vm4 =	veq.s32 v59, $0x0;
	v45 =	vadd.f32 v62, v45  }
0x76: {  	v53 =	vld.idx.msk [tilespmem:v32+s12+$0x0], $0xffff;
	v52 =	vsel vm4, $0x0, v1  }
0x77: {  	vm5 =	veq.s32 v61, $0x0;
	v45 =	vadd.f32 v52, v45  }
0x78: {  	v55 =	vld.idx.msk [tilespmem:v33+s12+$0x0], $0xffff;
	v54 =	vsel vm5, $0x0, v1  }
0x79: {  	vm6 =	veq.s32 v63, $0x0;
	v45 =	vadd.f32 v54, v45  }
0x7a: {  	v57 =	vld.idx.msk [tilespmem:v34+s12+$0x0], $0xffff;
	v56 =	vsel vm6, $0x0, v1  }
0x7b: {  	vm7 =	veq.s32 v53, $0x0;
	v45 =	vadd.f32 v56, v45  }
0x7c: {  	v59 =	vld.idx.msk [tilespmem:v35+s12+$0x0], $0xffff;
	v58 =	vsel vm7, $0x0, v1  }
0x7d: {  	vm8 =	veq.s32 v55, $0x0;
	v45 =	vadd.f32 v58, v45  }
0x7e: {  	v61 =	vld.idx.msk [tilespmem:v36+s12+$0x0], $0xffff;
	v60 =	vsel vm8, $0x0, v1  }
0x7f: {  	vm9 =	veq.s32 v57, $0x0;
	v45 =	vadd.f32 v60, v45  }
0x80: {  	v63 =	vld.idx.msk [tilespmem:v37+s12+$0x0], $0xffff;
	v62 =	vsel vm9, $0x0, v1  }
0x81: {  	vm10 =	veq.s32 v59, $0x0;
	v45 =	vadd.f32 v62, v45  }
0x82: {  	v51 =	vsel vm10, $0x0, v1;
	v52 =	vld.idx.msk [tilespmem:v38+s12+$0x0], $0xffff  }
0x83: {  	vm11 =	veq.s32 v61, $0x0;
	v45 =	vadd.f32 v51, v45  }
0x84: {  	v53 =	vsel vm11, $0x0, v1;
	v54 =	vld.idx.msk [tilespmem:v39+s12+$0x0], $0xffff  }
0x85: {  	vm12 =	veq.s32 v63, $0x0;
	v45 =	vadd.f32 v53, v45  }
0x86: {  	v55 =	vsel vm12, $0x0, v1;
	v56 =	vld.idx.msk [tilespmem:v40+s12+$0x0], $0xffff  }
0x87: {  	vm13 =	veq.s32 v52, $0x0;
	v45 =	vadd.f32 v55, v45  }
0x88: {  	v57 =	vsel vm13, $0x0, v1  }
0x89: {  	vm14 =	veq.s32 v54, $0x0;
	v45 =	vadd.f32 v57, v45  }
0x8a: {  	v58 =	vsel vm14, $0x0, v1  }
0x8b: {  	vm15 =	veq.s32 v56, $0x0;
	v45 =	vadd.f32 v58, v45  }
0x8c: {  	v59 =	vsel vm15, $0x0, v1  }
0x8d: {  	v45 =	vadd.f32 v59, v45;
	_ =	sdelay $0x1  }
0x8e: {  	v46 =	vmax.f32 v45, $1.000000000e+00  }
0x8f: {  	(erf) = vrcp.f32 v46;
	_ =	sdelay $0x7  }
0x90: {  	v45 =	vsub.f32 $2.000000000e+01, v45  }
0x91: {  	v46 =	vpop (erf)  }
0x92: {  	v45 =	vmul.f32 v46, v45  }
0x93: {  	[tilespmem:$0xBAF0] =	vst v46  }
0x94: {  	[tilespmem:$0xBB10] =	vst v45  }
0x95: {  	_ =	swait.ge [sflag:s24], $0x800  }
0x96: {  	[sflag:s24] =	ssyncset.done $0x0  }
0x97: {  	[sflag:s24] =	ssyncadd.s32 $0xFFFFF800  }
0x98: {  	_ =	swait.ge [sflag:s24], $0x2000  }
0x99: {  	[sflag:s24] =	ssyncset.done $0x0  }
0x9a: {  	[sflag:s24] =	ssyncadd.s32 $0xFFFFE000  }
0x9b: {  	_ =	swait.ge [sflag:s24], $0x2000  }
0x9c: {  	[sflag:s24] =	ssyncset.done $0x0  }
0x9d: {  	[sflag:s24] =	ssyncadd.s32 $0xFFFFE000  }
0x9e: {  	_ =	swait.ge [sflag:s24], $0x2000  }
0x9f: {  	[sflag:s24] =	ssyncset.done $0x0  }
0xa0: {  	[sflag:s24] =	ssyncadd.s32 $0xFFFFE000  }
0xa1: {  	_ =	swait.ge [sflag:s24], $0x2000  }
0xa2: {  	[sflag:s24] =	ssyncset.done $0x0  }
0xa3: {  	[sflag:s24] =	ssyncadd.s32 $0xFFFFE000  }
0xa4: {  	_ =	swait.ge [sflag:s24], $0x2000  }
0xa5: {  	[sflag:s24] =	ssyncset.done $0x0  }
0xa6: {  	s0 =	simm.s32 $0xD20;
	[sflag:s24] =	ssyncadd.s32 $0xFFFFE000  }
0xa7: {  	v60 =	vld [tilespmem:s0+$0xFFFFFD80]  }
0xa8: {  	v61 =	vld [tilespmem:s0+$0xFFFFFDC0];
	_ =	sdelay $0x1  }
0xa9: {  	v62 =	vld [tilespmem:s0+$0xFFFFFE00];
	_ =	sdelay $0x1  }
0xaa: {  	v63 =	vld [tilespmem:s0+$0xFFFFFE40]  }
0xab: {  	v45 =	vadd.f32 v61, v60  }
0xac: {  	v52 =	vld [tilespmem:s0+$0xFFFFFE80]  }
0xad: {  	v45 =	vadd.f32 v62, v45  }
0xae: {  	v53 =	vld [tilespmem:s0+$0xFFFFFEC0]  }
0xaf: {  	v45 =	vadd.f32 v63, v45  }
0xb0: {  	v54 =	vld [tilespmem:s0+$0xFFFFFF00]  }
0xb1: {  	v45 =	vadd.f32 v52, v45  }
0xb2: {  	v55 =	vld [tilespmem:s0+$0xFFFFFF40]  }
0xb3: {  	v45 =	vadd.f32 v53, v45  }
0xb4: {  	v56 =	vld [tilespmem:s0+$0xFFFFFF80]  }
0xb5: {  	v45 =	vadd.f32 v54, v45  }
0xb6: {  	v57 =	vld [tilespmem:s0+$0xFFFFFFC0]  }
0xb7: {  	v45 =	vadd.f32 v55, v45  }
0xb8: {  	v58 =	vld [tilespmem:s0+$0x0]  }
0xb9: {  	v45 =	vadd.f32 v56, v45  }
0xba: {  	v59 =	vld [tilespmem:s0+$0x40]  }
0xbb: {  	v45 =	vadd.f32 v57, v45  }
0xbc: {  	v60 =	vld [tilespmem:s0+$0x80]  }
0xbd: {  	v45 =	vadd.f32 v58, v45  }
0xbe: {  	v61 =	vld [tilespmem:s0+$0xC0]  }
0xbf: {  	v45 =	vadd.f32 v59, v45  }
0xc0: {  	v62 =	vld [tilespmem:s0+$0x100]  }
0xc1: {  	v45 =	vadd.f32 v60, v45  }
0xc2: {  	v63 =	vld [tilespmem:s0+$0x140]  }
0xc3: {  	v45 =	vadd.f32 v61, v45  }
0xc4: {  	v52 =	vld [tilespmem:s0+$0x180]  }
0xc5: {  	v45 =	vadd.f32 v62, v45  }
0xc6: {  	v53 =	vld [tilespmem:s0+$0x1C0];
	v54 =	vmov s9  }
0xc7: {  	v45 =	vadd.f32 v63, v45  }
0xc8: {  	v55 =	vld [tilespmem:s0+$0x200]  }
0xc9: {  	v46 =	vadd.f32 v52, v45  }
0xca: {  	v50 =	vld [tilespmem:s0+$0x240]  }
0xcb: {  	v45 =	vld.idx.msk [tilespmem:v54+s26+$0x0], $0xffff;
	v47 =	vadd.f32 v53, v46  }
0xcc: {  	v46 =	vld.idx.msk [tilespmem:v54+s25+$0x0], $0xffff  }
0xcd: {  	v47 =	vadd.f32 v55, v47  }
0xce: {  	s6 =	simm.s32 $0x2C0  }
0xcf: {  	v56 =	vld [tilespmem:s6+$0xFFFFFFE0];
	v47 =	vadd.f32 v50, v47;
	_ =	sdelay $0x1  }
0xd0: {  	v57 =	vmul.f32 v45, v41;
	v47 =	vmul.f32 v47, v46;
	_ =	sdelay $0x1  }
0xd1: {  	s10 =	simm.s32 $0xAAE0;
	v47 =	vsub.f32 v47, v57  }
0xd2: {  	[tilespmem:s10+$0xFFFFFFC0] =	vst v56  }
0xd3: {  	[tilespmem:s10+$0x0] =	vst v47  }
0xd4: {  	v47 =	vld [tilespmem:s0+$0xFFFFFD90]  }
0xd5: {  	v48 =	vld [tilespmem:s0+$0xFFFFFDD0];
	_ =	sdelay $0x1  }
0xd6: {  	v58 =	vld [tilespmem:s0+$0xFFFFFE10];
	_ =	sdelay $0x1  }
0xd7: {  	v59 =	vld [tilespmem:s0+$0xFFFFFE50]  }
0xd8: {  	v47 =	vadd.f32 v48, v47  }
0xd9: {  	v60 =	vld [tilespmem:s0+$0xFFFFFE90]  }
0xda: {  	v47 =	vadd.f32 v58, v47  }
0xdb: {  	v61 =	vld [tilespmem:s0+$0xFFFFFED0]  }
0xdc: {  	v47 =	vadd.f32 v59, v47  }
0xdd: {  	v62 =	vld [tilespmem:s0+$0xFFFFFF10]  }
0xde: {  	v47 =	vadd.f32 v60, v47  }
0xdf: {  	v63 =	vld [tilespmem:s0+$0xFFFFFF50]  }
0xe0: {  	v47 =	vadd.f32 v61, v47  }
0xe1: {  	v52 =	vld [tilespmem:s0+$0xFFFFFF90]  }
0xe2: {  	v47 =	vadd.f32 v62, v47  }
0xe3: {  	v53 =	vld [tilespmem:s0+$0xFFFFFFD0]  }
0xe4: {  	v47 =	vadd.f32 v63, v47  }
0xe5: {  	v54 =	vld [tilespmem:s0+$0x10]  }
0xe6: {  	v47 =	vadd.f32 v52, v47  }
0xe7: {  	v55 =	vld [tilespmem:s0+$0x50]  }
0xe8: {  	v47 =	vadd.f32 v53, v47  }
0xe9: {  	v56 =	vld [tilespmem:s0+$0x90]  }
0xea: {  	v47 =	vadd.f32 v54, v47  }
0xeb: {  	v57 =	vld [tilespmem:s0+$0xD0]  }
0xec: {  	v47 =	vadd.f32 v55, v47  }
0xed: {  	v58 =	vld [tilespmem:s0+$0x110]  }
0xee: {  	v47 =	vadd.f32 v56, v47  }
0xef: {  	v59 =	vld [tilespmem:s0+$0x150]  }
0xf0: {  	v47 =	vadd.f32 v57, v47  }
0xf1: {  	v60 =	vld [tilespmem:s0+$0x190]  }
0xf2: {  	v47 =	vadd.f32 v58, v47  }
0xf3: {  	v61 =	vld [tilespmem:s0+$0x1D0]  }
0xf4: {  	v47 =	vadd.f32 v59, v47  }
0xf5: {  	v62 =	vld [tilespmem:s0+$0x210]  }
0xf6: {  	v47 =	vadd.f32 v60, v47  }
0xf7: {  	v63 =	vld [tilespmem:s0+$0x250]  }
0xf8: {  	v47 =	vadd.f32 v61, v47;
	_ =	sdelay $0x1  }
0xf9: {  	v47 =	vadd.f32 v62, v47;
	_ =	sdelay $0x1  }
0xfa: {  	v52 =	vld [tilespmem:s6+$0xFFFFFFF0];
	v47 =	vadd.f32 v63, v47;
	_ =	sdelay $0x1  }
0xfb: {  	v53 =	vmul.f32 v45, v42;
	v47 =	vmul.f32 v47, v46;
	_ =	sdelay $0x1  }
0xfc: {  	v47 =	vsub.f32 v47, v53  }
0xfd: {  	[tilespmem:s10+$0xFFFFFFD0] =	vst v52  }
0xfe: {  	[tilespmem:s10+$0x10] =	vst v47  }
0xff: {  	v47 =	vld [tilespmem:s0+$0xFFFFFDA0]  }
0x100: {  	v54 =	vld [tilespmem:s0+$0xFFFFFDE0];
	_ =	sdelay $0x1  }
0x101: {  	v49 =	vld [tilespmem:s0+$0xFFFFFE20];
	_ =	sdelay $0x1  }
0x102: {  	v55 =	vld [tilespmem:s0+$0xFFFFFE60]  }
0x103: {  	v47 =	vadd.f32 v54, v47  }
0x104: {  	v56 =	vld [tilespmem:s0+$0xFFFFFEA0]  }
0x105: {  	v47 =	vadd.f32 v49, v47  }
0x106: {  	v57 =	vld [tilespmem:s0+$0xFFFFFEE0]  }
0x107: {  	v47 =	vadd.f32 v55, v47  }
0x108: {  	v58 =	vld [tilespmem:s0+$0xFFFFFF20]  }
0x109: {  	v47 =	vadd.f32 v56, v47  }
0x10a: {  	v59 =	vld [tilespmem:s0+$0xFFFFFF60]  }
0x10b: {  	v47 =	vadd.f32 v57, v47  }
0x10c: {  	v60 =	vld [tilespmem:s0+$0xFFFFFFA0]  }
0x10d: {  	v47 =	vadd.f32 v58, v47  }
0x10e: {  	v61 =	vld [tilespmem:s0+$0xFFFFFFE0]  }
0x10f: {  	v47 =	vadd.f32 v59, v47  }
0x110: {  	v62 =	vld [tilespmem:s0+$0x20]  }
0x111: {  	v47 =	vadd.f32 v60, v47  }
0x112: {  	v63 =	vld [tilespmem:s0+$0x60]  }
0x113: {  	v47 =	vadd.f32 v61, v47  }
0x114: {  	v52 =	vld [tilespmem:s0+$0xA0]  }
0x115: {  	v47 =	vadd.f32 v62, v47  }
0x116: {  	v53 =	vld [tilespmem:s0+$0xE0]  }
0x117: {  	v47 =	vadd.f32 v63, v47  }
0x118: {  	v54 =	vld [tilespmem:s0+$0x120]  }
0x119: {  	v47 =	vadd.f32 v52, v47  }
0x11a: {  	v55 =	vld [tilespmem:s0+$0x160]  }
0x11b: {  	v47 =	vadd.f32 v53, v47  }
0x11c: {  	v56 =	vld [tilespmem:s0+$0x1A0]  }
0x11d: {  	v47 =	vadd.f32 v54, v47  }
0x11e: {  	v57 =	vld [tilespmem:s0+$0x1E0]  }
0x11f: {  	v47 =	vadd.f32 v55, v47  }
0x120: {  	v58 =	vld [tilespmem:s0+$0x220]  }
0x121: {  	v47 =	vadd.f32 v56, v47  }
0x122: {  	v59 =	vld [tilespmem:s0+$0x260]  }
0x123: {  	v47 =	vadd.f32 v57, v47;
	_ =	sdelay $0x1  }
0x124: {  	v47 =	vadd.f32 v58, v47;
	_ =	sdelay $0x1  }
0x125: {  	v60 =	vld [tilespmem:s6+$0x0];
	v47 =	vadd.f32 v59, v47;
	_ =	sdelay $0x1  }
0x126: {  	v61 =	vmul.f32 v45, v43;
	v47 =	vmul.f32 v47, v46;
	_ =	sdelay $0x1  }
0x127: {  	v47 =	vsub.f32 v47, v61  }
0x128: {  	[tilespmem:s10+$0xFFFFFFE0] =	vst v60  }
0x129: {  	[tilespmem:s10+$0x20] =	vst v47  }
0x12a: {  	v47 =	vld [tilespmem:s0+$0xFFFFFDB0]  }
0x12b: {  	v62 =	vld [tilespmem:s0+$0xFFFFFDF0]  }
0x12c: {  	v49 =	vld [tilespmem:s0+$0xFFFFFE30]  }
0x12d: {  	v63 =	vld [tilespmem:s0+$0xFFFFFE70]  }
0x12e: {  	v51 =	vld [tilespmem:s0+$0xFFFFFEB0]  }
0x12f: {  	v54 =	vld [tilespmem:s0+$0xFFFFFEF0]  }
0x130: {  	v57 =	vld [tilespmem:s0+$0xFFFFFF30];
	v47 =	vadd.f32 v62, v47  }
0x131: {  	v56 =	vld [tilespmem:s0+$0xFFFFFF70]  }
0x132: {  	v55 =	vld [tilespmem:s0+$0xFFFFFFB0];
	v48 =	vadd.f32 v49, v47  }
0x133: {  	v52 =	vld [tilespmem:s0+$0x30]  }
0x134: {  	v53 =	vld [tilespmem:s0+$0xB0];
	v49 =	vadd.f32 v63, v48  }
0x135: {  	v47 =	vld [tilespmem:s0+$0xFFFFFFF0]  }
0x136: {  	v48 =	vld [tilespmem:s0+$0x70];
	v50 =	vadd.f32 v51, v49  }
0x137: {  	v49 =	vld [tilespmem:s0+$0xF0]  }
0x138: {  	v51 =	vadd.f32 v54, v50;
	v54 =	vld [tilespmem:s0+$0x130]  }
0x139: {  	s2 =	simm.s32 $0xD20;
	v50 =	vld [tilespmem:s0+$0x170]  }
0x13a: {  	s29 =	simm.s32 $0x2C0;
	s1 =	simm.s32 $0x1;
	s9 =	simm.s32 $0xAAE0;
	v57 =	vadd.f32 v57, v51;
	v51 =	vld [tilespmem:s0+$0x1B0]  }
.LBB2_3:
0x13b: {  	v58 =	vld [tilespmem:s0+$0x1F0];
	s10 =	sadd.s32 $0x80, s10;
	s6 =	sadd.s32 $0x40, s6;
	s2 =	sadd.s32 $0x500, s2  }
0x13c: {  	p0 =	sne.s32 s1, $0x1F;
	s3 =	smov.u32 s1;
	s1 =	sadd.s32 $0x1, s1;
	v56 =	vadd.f32 v56, v57;
	v57 =	vld [tilespmem:s0+$0x230]  }
0x13d: {  	v59 =	vld [tilespmem:s0+$0x270];
	s0 =	smov.u32 s2  }
0x13e: {  	v55 =	vadd.f32 v55, v56;
	v56 =	vld [tilespmem:s29+$0x10];
	s29 =	smov.u32 s6;
	_ =	sdelay $0x1  }
0x13f: {  	v47 =	vadd.f32 v47, v55;
	_ =	sdelay $0x1  }
0x140: {  	v47 =	vadd.f32 v52, v47;
	_ =	sdelay $0x1  }
0x141: {  	v47 =	vadd.f32 v48, v47;
	_ =	sdelay $0x1  }
0x142: {  	v47 =	vadd.f32 v53, v47;
	_ =	sdelay $0x1  }
0x143: {  	v47 =	vadd.f32 v49, v47;
	_ =	sdelay $0x1  }
0x144: {  	v47 =	vadd.f32 v54, v47;
	_ =	sdelay $0x1  }
0x145: {  	v47 =	vadd.f32 v50, v47;
	_ =	sdelay $0x1  }
0x146: {  	v47 =	vadd.f32 v51, v47;
	_ =	sdelay $0x1  }
0x147: {  	v47 =	vadd.f32 v58, v47;
	_ =	sdelay $0x1  }
0x148: {  	v47 =	vadd.f32 v57, v47;
	_ =	sdelay $0x1  }
0x149: {  	v47 =	vadd.f32 v59, v47;
	_ =	sdelay $0x1  }
0x14a: {  	v45 =	vmul.f32 v45, v44;
	v46 =	vmul.f32 v47, v46;
	_ =	sdelay $0x1  }
0x14b: {  	v45 =	vsub.f32 v46, v45  }
0x14c: {  	[tilespmem:s9+$0xFFFFFFF0] =	vst v56  }
0x14d: {  	[tilespmem:s9+$0x30] =	vst v45;
	s9 =	smov.u32 s10  }
0x14e: {  	v45 =	vld [tilespmem:s2+$0xFFFFFE40]  }
0x14f: {  	v46 =	vld [tilespmem:s2+$0xFFFFFE00]  }
0x150: {  	v47 =	vld [tilespmem:s2+$0xFFFFFD80]  }
0x151: {  	v48 =	vld [tilespmem:s2+$0xFFFFFDC0]  }
0x152: {  	v49 =	vld [tilespmem:s2+$0xFFFFFF00]  }
0x153: {  	v50 =	vld [tilespmem:s2+$0x180]  }
0x154: {  	v51 =	vld [tilespmem:s2+$0xFFFFFFC0]  }
0x155: {  	v52 =	vld [tilespmem:s2+$0x1C0]  }
0x156: {  	v47 =	vadd.f32 v48, v47;
	v48 =	vld [tilespmem:s2+$0xFFFFFE80];
	_ =	sdelay $0x1  }
0x157: {  	v46 =	vadd.f32 v46, v47;
	v47 =	vld [tilespmem:s2+$0xFFFFFEC0];
	_ =	sdelay $0x1  }
0x158: {  	v45 =	vadd.f32 v45, v46;
	v46 =	vld [tilespmem:s2+$0x0]  }
0x159: {  	v53 =	vld [tilespmem:s2+$0xFFFFFF80]  }
0x15a: {  	v45 =	vadd.f32 v48, v45;
	v48 =	vld [tilespmem:s2+$0xFFFFFF40]  }
0x15b: {  	v54 =	vld [tilespmem:s2+$0x40]  }
0x15c: {  	v45 =	vadd.f32 v47, v45;
	v47 =	vld [tilespmem:s2+$0x200];
	_ =	sdelay $0x1  }
0x15d: {  	v45 =	vadd.f32 v49, v45;
	_ =	sdelay $0x1  }
0x15e: {  	v45 =	vadd.f32 v48, v45;
	_ =	sdelay $0x1  }
0x15f: {  	v45 =	vadd.f32 v53, v45;
	_ =	sdelay $0x1  }
0x160: {  	v45 =	vadd.f32 v51, v45;
	v48 =	vld [tilespmem:s2+$0x80];
	_ =	sdelay $0x1  }
0x161: {  	v45 =	vadd.f32 v46, v45;
	v46 =	vld [tilespmem:s2+$0xC0];
	_ =	sdelay $0x1  }
0x162: {  	v45 =	vadd.f32 v54, v45  }
0x163: {  	v49 =	vld [tilespmem:s2+$0x100]  }
0x164: {  	v45 =	vadd.f32 v48, v45  }
0x165: {  	v48 =	vld [tilespmem:s2+$0x140]  }
0x166: {  	v45 =	vadd.f32 v46, v45  }
0x167: {  	v46 =	vmov s3  }
0x168: {  	v45 =	vadd.f32 v49, v45;
	_ =	sdelay $0x1  }
0x169: {  	v48 =	vadd.f32 v48, v45;
	_ =	sdelay $0x1  }
0x16a: {  	v45 =	vld.idx.msk [tilespmem:v46+s26+$0x0], $0xffff;
	v48 =	vadd.f32 v50, v48  }
0x16b: {  	v49 =	vld [tilespmem:s2+$0x240]  }
0x16c: {  	v46 =	vld.idx.msk [tilespmem:v46+s25+$0x0], $0xffff;
	v48 =	vadd.f32 v52, v48;
	_ =	sdelay $0x1  }
0x16d: {  	v47 =	vadd.f32 v47, v48;
	_ =	sdelay $0x1  }
0x16e: {  	v47 =	vadd.f32 v49, v47;
	v48 =	vld [tilespmem:s6+$0xFFFFFFE0];
	_ =	sdelay $0x1  }
0x16f: {  	v49 =	vmul.f32 v45, v41;
	v47 =	vmul.f32 v47, v46;
	_ =	sdelay $0x1  }
0x170: {  	v47 =	vsub.f32 v47, v49  }
0x171: {  	[tilespmem:s10+$0xFFFFFFC0] =	vst v48  }
0x172: {  	[tilespmem:s10+$0x0] =	vst v47  }
0x173: {  	v47 =	vld [tilespmem:s2+$0xFFFFFD90]  }
0x174: {  	v48 =	vld [tilespmem:s2+$0xFFFFFDD0];
	_ =	sdelay $0x1  }
0x175: {  	v49 =	vld [tilespmem:s2+$0xFFFFFE10];
	_ =	sdelay $0x1  }
0x176: {  	v50 =	vld [tilespmem:s2+$0xFFFFFE50]  }
0x177: {  	v47 =	vadd.f32 v48, v47  }
0x178: {  	v48 =	vld [tilespmem:s2+$0xFFFFFE90]  }
0x179: {  	v47 =	vadd.f32 v49, v47  }
0x17a: {  	v49 =	vld [tilespmem:s2+$0xFFFFFED0]  }
0x17b: {  	v47 =	vadd.f32 v50, v47  }
0x17c: {  	v50 =	vld [tilespmem:s2+$0xFFFFFF10]  }
0x17d: {  	v47 =	vadd.f32 v48, v47;
	v48 =	vld [tilespmem:s2+$0x250]  }
0x17e: {  	v51 =	vld [tilespmem:s2+$0xFFFFFF50]  }
0x17f: {  	v47 =	vadd.f32 v49, v47;
	v49 =	vld [tilespmem:s2+$0x210]  }
0x180: {  	v52 =	vld [tilespmem:s2+$0xFFFFFF90]  }
0x181: {  	v47 =	vadd.f32 v50, v47;
	v50 =	vld [tilespmem:s2+$0x1D0]  }
0x182: {  	v53 =	vld [tilespmem:s2+$0xFFFFFFD0]  }
0x183: {  	v47 =	vadd.f32 v51, v47;
	v51 =	vld [tilespmem:s2+$0x190]  }
0x184: {  	v54 =	vld [tilespmem:s2+$0x10]  }
0x185: {  	v47 =	vadd.f32 v52, v47;
	v52 =	vld [tilespmem:s6+$0xFFFFFFF0]  }
0x186: {  	v55 =	vld [tilespmem:s2+$0x50]  }
0x187: {  	v47 =	vadd.f32 v53, v47;
	v53 =	vld [tilespmem:s2+$0x150]  }
0x188: {  	v56 =	vld [tilespmem:s2+$0x90]  }
0x189: {  	v47 =	vadd.f32 v54, v47;
	v54 =	vld [tilespmem:s2+$0x110]  }
0x18a: {  	v57 =	vld [tilespmem:s2+$0xD0]  }
0x18b: {  	v47 =	vadd.f32 v55, v47;
	[tilespmem:s10+$0xFFFFFFD0] =	vst v52;
	_ =	sdelay $0x1  }
0x18c: {  	v47 =	vadd.f32 v56, v47;
	_ =	sdelay $0x1  }
0x18d: {  	v47 =	vadd.f32 v57, v47;
	_ =	sdelay $0x1  }
0x18e: {  	v47 =	vadd.f32 v54, v47;
	_ =	sdelay $0x1  }
0x18f: {  	v47 =	vadd.f32 v53, v47;
	_ =	sdelay $0x1  }
0x190: {  	v47 =	vadd.f32 v51, v47;
	_ =	sdelay $0x1  }
0x191: {  	v47 =	vadd.f32 v50, v47;
	_ =	sdelay $0x1  }
0x192: {  	v47 =	vadd.f32 v49, v47;
	_ =	sdelay $0x1  }
0x193: {  	v47 =	vadd.f32 v48, v47;
	_ =	sdelay $0x1  }
0x194: {  	v48 =	vmul.f32 v45, v42;
	v47 =	vmul.f32 v47, v46;
	_ =	sdelay $0x1  }
0x195: {  	v47 =	vsub.f32 v47, v48;
	_ =	sdelay $0x1  }
0x196: {  	[tilespmem:s10+$0x10] =	vst v47  }
0x197: {  	v47 =	vld [tilespmem:s2+$0xFFFFFDA0]  }
0x198: {  	v48 =	vld [tilespmem:s2+$0xFFFFFDE0];
	_ =	sdelay $0x1  }
0x199: {  	v49 =	vld [tilespmem:s2+$0xFFFFFE20];
	_ =	sdelay $0x1  }
0x19a: {  	v50 =	vld [tilespmem:s2+$0xFFFFFE60]  }
0x19b: {  	v47 =	vadd.f32 v48, v47  }
0x19c: {  	v48 =	vld [tilespmem:s2+$0xFFFFFEA0]  }
0x19d: {  	v47 =	vadd.f32 v49, v47;
	v49 =	vld [tilespmem:s2+$0x220]  }
0x19e: {  	v51 =	vld [tilespmem:s2+$0xFFFFFEE0]  }
0x19f: {  	v47 =	vadd.f32 v50, v47;
	v50 =	vld [tilespmem:s2+$0x260]  }
0x1a0: {  	v52 =	vld [tilespmem:s2+$0xFFFFFF20]  }
0x1a1: {  	v47 =	vadd.f32 v48, v47;
	v48 =	vld [tilespmem:s2+$0x1E0]  }
0x1a2: {  	v53 =	vld [tilespmem:s2+$0xFFFFFF60]  }
0x1a3: {  	v47 =	vadd.f32 v51, v47;
	v51 =	vld [tilespmem:s2+$0x1A0]  }
0x1a4: {  	v54 =	vld [tilespmem:s2+$0xFFFFFFA0]  }
0x1a5: {  	v47 =	vadd.f32 v52, v47;
	v52 =	vld [tilespmem:s6+$0x0]  }
0x1a6: {  	v55 =	vld [tilespmem:s2+$0xFFFFFFE0]  }
0x1a7: {  	v47 =	vadd.f32 v53, v47;
	v53 =	vld [tilespmem:s2+$0x160]  }
0x1a8: {  	v56 =	vld [tilespmem:s2+$0x20]  }
0x1a9: {  	v47 =	vadd.f32 v54, v47;
	v54 =	vld [tilespmem:s2+$0x120]  }
0x1aa: {  	v57 =	vld [tilespmem:s2+$0x60]  }
0x1ab: {  	v47 =	vadd.f32 v55, v47;
	v55 =	vld [tilespmem:s2+$0xE0]  }
0x1ac: {  	v58 =	vld [tilespmem:s2+$0xA0]  }
0x1ad: {  	v47 =	vadd.f32 v56, v47;
	[tilespmem:s10+$0xFFFFFFE0] =	vst v52;
	_ =	sdelay $0x1  }
0x1ae: {  	v47 =	vadd.f32 v57, v47;
	_ =	sdelay $0x1  }
0x1af: {  	v47 =	vadd.f32 v58, v47;
	_ =	sdelay $0x1  }
0x1b0: {  	v47 =	vadd.f32 v55, v47;
	_ =	sdelay $0x1  }
0x1b1: {  	v47 =	vadd.f32 v54, v47;
	_ =	sdelay $0x1  }
0x1b2: {  	v47 =	vadd.f32 v53, v47;
	_ =	sdelay $0x1  }
0x1b3: {  	v47 =	vadd.f32 v51, v47;
	_ =	sdelay $0x1  }
0x1b4: {  	v47 =	vadd.f32 v48, v47;
	_ =	sdelay $0x1  }
0x1b5: {  	v47 =	vadd.f32 v49, v47;
	_ =	sdelay $0x1  }
0x1b6: {  	v47 =	vadd.f32 v50, v47;
	_ =	sdelay $0x1  }
0x1b7: {  	v48 =	vmul.f32 v45, v43;
	v47 =	vmul.f32 v47, v46;
	_ =	sdelay $0x1  }
0x1b8: {  	v47 =	vsub.f32 v47, v48;
	_ =	sdelay $0x1  }
0x1b9: {  	[tilespmem:s10+$0x20] =	vst v47  }
0x1ba: {  	v47 =	vld [tilespmem:s2+$0xFFFFFDB0]  }
0x1bb: {  	v48 =	vld [tilespmem:s2+$0xFFFFFDF0]  }
0x1bc: {  	v49 =	vld [tilespmem:s2+$0xFFFFFE30]  }
0x1bd: {  	v50 =	vld [tilespmem:s2+$0xFFFFFE70]  }
0x1be: {  	v51 =	vld [tilespmem:s2+$0xFFFFFEB0]  }
0x1bf: {  	v54 =	vld [tilespmem:s2+$0xFFFFFEF0]  }
0x1c0: {  	v47 =	vadd.f32 v48, v47;
	v57 =	vld [tilespmem:s2+$0xFFFFFF30]  }
0x1c1: {  	v56 =	vld [tilespmem:s2+$0xFFFFFF70]  }
0x1c2: {  	v48 =	vadd.f32 v49, v47;
	v55 =	vld [tilespmem:s2+$0xFFFFFFB0]  }
0x1c3: {  	v47 =	vld [tilespmem:s2+$0xFFFFFFF0]  }
0x1c4: {  	v49 =	vadd.f32 v50, v48;
	v52 =	vld [tilespmem:s2+$0x30]  }
0x1c5: {  	v48 =	vld [tilespmem:s2+$0x70]  }
.Ltmp0:
0x1c6: {  	v50 =	vadd.f32 v51, v49;
	v53 =	vld [tilespmem:s2+$0xB0];
	(pc) =	sbr.rel @p0 .LBB2_3-.Ltmp0, $4  }
0x1c7: {  	v49 =	vld [tilespmem:s2+$0xF0]  }
0x1c8: {  	v51 =	vadd.f32 v54, v50;
	v54 =	vld [tilespmem:s2+$0x130]  }
0x1c9: {  	v50 =	vld [tilespmem:s2+$0x170]  }
0x1ca: {  	v57 =	vadd.f32 v57, v51;
	v51 =	vld [tilespmem:s2+$0x1B0]  }
0x1cb: {  	_ = 	snop  }
0x1cc: {  	v56 =	vadd.f32 v56, v57;
	_ =	sdelay $0x1  }
0x1cd: {  	v55 =	vadd.f32 v55, v56;
	_ =	sdelay $0x1  }
0x1ce: {  	v47 =	vadd.f32 v47, v55;
	_ =	sdelay $0x1  }
0x1cf: {  	v47 =	vadd.f32 v52, v47;
	_ =	sdelay $0x1  }
0x1d0: {  	v47 =	vadd.f32 v48, v47;
	_ =	sdelay $0x1  }
0x1d1: {  	v47 =	vadd.f32 v53, v47;
	_ =	sdelay $0x1  }
0x1d2: {  	v47 =	vadd.f32 v49, v47;
	_ =	sdelay $0x1  }
0x1d3: {  	v47 =	vadd.f32 v54, v47  }
0x1d4: {  	v60 =	vld [tilespmem:s0+$0x1F0]  }
0x1d5: {  	v47 =	vadd.f32 v50, v47  }
0x1d6: {  	v61 =	vld [tilespmem:s0+$0x230]  }
0x1d7: {  	v47 =	vadd.f32 v51, v47  }
0x1d8: {  	v62 =	vld [tilespmem:s0+$0x270]  }
0x1d9: {  	v47 =	vadd.f32 v60, v47;
	_ =	sdelay $0x1  }
0x1da: {  	v47 =	vadd.f32 v61, v47;
	_ =	sdelay $0x1  }
0x1db: {  	v63 =	vld [tilespmem:s29+$0x10];
	v47 =	vadd.f32 v62, v47;
	_ =	sdelay $0x1  }
0x1dc: {  	v45 =	vmul.f32 v45, v44;
	v46 =	vmul.f32 v47, v46;
	_ =	sdelay $0x1  }
0x1dd: {  	s30 =	sadd.s32 $0x1, s30;
	v45 =	vsub.f32 v46, v45  }
0x1de: {  	s29 =	sshll.u32 s31, $0x4;
	s1 =	rddreg [dreg:$0x2];
	p0 =	sne.s32 s30, $0x10;
	[tilespmem:s9+$0xFFFFFFF0] =	vst v63  }
.Ltmp1:
0x1df: {  	s31 =	simm.s32 $0x0;
	s0 =	sadd.s32 s1, s29;
	[tilespmem:s9+$0x30] =	vst v45;
	(pc) =	sbr.rel @p0 .LBB2_2-.Ltmp1, $4  }
0x1e0: {  	[hbm4b:s0+s31] =	stream.linear.scatter [tilespmem:s28], [sflag:$0x2], $0x1000, $0x38;
	[tilespmem:$0xBB20] =	vst v63  }
0x1e1: {  	_ =	swait.ge [sflag:s11], $0x1000  }
0x1e2: {  	[sflag:s11] =	ssyncset.done $0x0  }
0x1e3: {  	[sflag:s11] =	ssyncadd.s32 $0xFFFFF000  }
0x1e4: {  	s1 =	rddreg [dreg:$0x5]  }
0x1e5: {  	s0 =	rddreg [dreg:$0x4];
	s1 =	sadd.s32 $0x1, s1  }
0x1e6: {  	p0 =	sne.s32 s1, s0  }
.Ltmp2:
0x1e7: {  	_ = 	snop;
	(pc) =	sbr.rel @p0 .LBB2_1-.Ltmp2, $1  }
0x1e8: {  	_ =	sdelay $0x3  }
0x1e9: {  	_ =	sfence.sel $0x180000  }
0x1ea: {  	[bflag:$0x0] =	sbarrier.arrive $0xFFFF  }
0x1eb: {  	_ =	strace $0x90000047  }
0x1ec: {  	s0 =	stileid.u32;
	[bflag:$0x2] =	sbarrier.arrive $0xFFFF  }
0x1ed: {  	p0 =	sne.s32 s0, $0x0;
	s0 =	rddreg [dreg:$0x3]  }
0x1ee: {  	s0 =	sadd.s32 @!p0 $0x100000, s0  }
0x1ef: {  	[sflag:s0] =	ssyncadd.tile.s32 @!p0 $0x1;
	_ =	shalt  }
.Lfunc_end2:
_tile_overlayer_lowered:
.L_overlay_start_2:
0x1f0: {  	(tag) =	ssettag $0x2  }
0x1f1: {  	s0 =	rddreg [dreg:$0x0];
	s2 =	stileid.u32  }
0x1f2: {  	s1 =	rddreg [dreg:$0x1];
	p0 =	sne.s32 s2, $0x0  }
0x1f3: {  	s3 =	rddreg [dreg:$0x2];
	[bflag:$0x3] =	sbarrier.arrive $0xFFFF;
	s2 =	simm.s32 @!p0 $0x1C02  }
0x1f4: {  	[timem:s3], [sflag:s2] =	dma.local @!p0 [hbm:s0], s1  }
0x1f5: {  	s0 =	simm.s32 @!p0 $0x2  }
0x1f6: {  	_ =	swait.ge @!p0 [sflag:s0], s1  }
0x1f7: {  	s1 =	ssub.s32 @!p0 $0x0, s1;
	[sflag:s0] =	ssyncset.done @!p0 $0x0  }
0x1f8: {  	[sflag:s0] =	ssyncadd.s32 @!p0 s1  }
0x1f9: {  	[bflag:$0x3] =	sbarrier.arrive $0xFFFF  }
0x1fa: {  	_ =	shalt  }

</sc_bundles>
